<compile_context>
chip_gen: v7x
topology: tpu7x:2x2x1
jax: 0.10.2.dev20260603
libtpu: 0.0.44.dev20260713+nightly
codegen_flags: <defaults>
</compile_context>

<pallas_src>
import functools

import jax
import jax.numpy as jnp
from jax import lax
from jax.experimental import pallas as pl
from jax.experimental.pallas import tpu as pltpu
from jax.experimental.pallas import tpu_sc as plsc

B, T, C = 4, 8192, 1024
T_BLK = 512

NROWS = B * T
N_WORKERS = 32
WROWS = T // N_WORKERS
CR = 16
N_CHUNKS = WROWS // CR
LANES = 16


def _tc_add_kernel(x_ref, w_ref, o_ref):
    o_ref[...] = x_ref[...] + w_ref[...][None, :, :]


def _tc_kernel(x, embed_weight, nb=B):
    w = embed_weight[:T]
    return pl.pallas_call(
        _tc_add_kernel,
        grid=(T // T_BLK,),
        in_specs=[
            pl.BlockSpec((nb, T_BLK, C), lambda t: (0, t, 0)),
            pl.BlockSpec((T_BLK, C), lambda t: (t, 0)),
        ],
        out_specs=pl.BlockSpec((nb, T_BLK, C), lambda t: (0, t, 0)),
        out_shape=jax.ShapeDtypeStruct((nb, T, C), x.dtype),
    )(x, w)


def _sc_body(x_hbm, w_hbm, o_hbm,
             ob0, ob1, ob2, ob3, wb0, wb1,
             xs0, xs1, xs2, xs3, os0, os1, os2, os3, ws0, ws1):
    wid = lax.axis_index("s") * 2 + lax.axis_index("c")
    wbase = wid * WROWS

    ob = (ob0, ob1, ob2, ob3)
    wb = (wb0, wb1)
    xs = (xs0, xs1, xs2, xs3)
    osm = (os0, os1, os2, os3)
    ws = (ws0, ws1)

    def start_x(j, b, q):
        pltpu.async_copy(
            x_hbm.at[pl.ds(b * T + wbase + j * CR, CR)], ob[q], xs[q])

    def wait_x(q):
        pltpu.make_async_copy(x_hbm.at[pl.ds(0, CR)], ob[q], xs[q]).wait()

    def start_out(j, b, q):
        pltpu.async_copy(
            ob[q], o_hbm.at[pl.ds(b * T + wbase + j * CR, CR)], osm[q])

    def wait_out(q):
        pltpu.make_async_copy(ob[q], o_hbm.at[pl.ds(0, CR)], osm[q]).wait()

    def start_w(j, s):
        pltpu.async_copy(w_hbm.at[pl.ds(wbase + j * CR, CR)], wb[s], ws[s])

    def wait_w(s):
        pltpu.make_async_copy(w_hbm.at[pl.ds(0, CR)], wb[s], ws[s]).wait()

    start_w(0, 0)
    start_x(0, 0, 0)
    start_x(0, 1, 1)

    @pl.loop(0, N_CHUNKS, step=2)
    def _chunks(j0):
        for dj in range(2):
            j = j0 + dj
            wslot = dj
            wait_w(wslot)
            pl.when(j + 1 < N_CHUNKS)(lambda: start_w(j + 1, 1 - wslot))
            for b in range(B):
                q = b
                i = j * B + b
                wait_x(q)
                nq = (b + 2) % 4
                if b < 2:
                    pl.when(i >= 2)(lambda: wait_out(nq))
                    start_x(j, b + 2, nq)
                else:
                    def _next():
                        wait_out(nq)
                        start_x(j + 1, b - 2, nq)
                    pl.when(j + 1 < N_CHUNKS)(_next)

                def add(s):
                    r = s // (C // LANES)
                    sl = pl.ds((s % (C // LANES)) * LANES, LANES)
                    plsc.addupdate(ob[q].at[r, sl], wb[wslot][r, sl])

                plsc.parallel_loop(0, CR * C // LANES, 1, unroll=8)(add)
                start_out(j, b, q)

    wait_out(0)
    wait_out(1)
    wait_out(2)
    wait_out(3)


def _sc_body_1b(x_hbm, w_hbm, o_hbm,
                ob0, ob1, ob2, ob3, wb0, wb1,
                xs0, xs1, xs2, xs3, os0, os1, os2, os3, ws0, ws1):
    wid = lax.axis_index("s") * 2 + lax.axis_index("c")
    wbase = wid * WROWS

    ob = (ob0, ob1, ob2, ob3)
    wb = (wb0, wb1)
    xs = (xs0, xs1, xs2, xs3)
    osm = (os0, os1, os2, os3)
    ws = (ws0, ws1)

    def start_x(j, q):
        pltpu.async_copy(
            x_hbm.at[pl.ds(XB_OFF * T + wbase + j * CR, CR)], ob[q], xs[q])

    def wait_x(q):
        pltpu.make_async_copy(x_hbm.at[pl.ds(0, CR)], ob[q], xs[q]).wait()

    def start_out(j, q):
        pltpu.async_copy(ob[q], o_hbm.at[pl.ds(wbase + j * CR, CR)], osm[q])

    def wait_out(q):
        pltpu.make_async_copy(ob[q], o_hbm.at[pl.ds(0, CR)], osm[q]).wait()

    def start_w(j, s):
        pltpu.async_copy(w_hbm.at[pl.ds(wbase + j * CR, CR)], wb[s], ws[s])

    def wait_w(s):
        pltpu.make_async_copy(w_hbm.at[pl.ds(0, CR)], wb[s], ws[s]).wait()

    start_w(0, 0)
    start_x(0, 0)
    start_x(1, 1)

    @pl.loop(0, N_CHUNKS, step=4)
    def _chunks(j0):
        for dj in range(4):
            j = j0 + dj
            q = dj
            wslot = dj % 2
            wait_w(wslot)
            pl.when(j + 1 < N_CHUNKS)(lambda: start_w(j + 1, 1 - wslot))
            wait_x(q)

            def add(s):
                r = s // (C // LANES)
                sl = pl.ds((s % (C // LANES)) * LANES, LANES)
                plsc.addupdate(ob[q].at[r, sl], wb[wslot][r, sl])

            plsc.parallel_loop(0, CR * C // LANES, 1, unroll=8)(add)
            start_out(j, q)
            nq = (dj + 2) % 4
            pl.when(jnp.logical_and(j >= 2, j + 2 < N_CHUNKS))(
                lambda: wait_out(nq))
            pl.when(j + 2 < N_CHUNKS)(lambda: start_x(j + 2, nq))

    wait_out(0)
    wait_out(1)
    wait_out(2)
    wait_out(3)


XB_OFF = 3


def _sc_kernel_1b(x, embed_weight):
    mesh = plsc.VectorSubcoreMesh(core_axis_name="c", subcore_axis_name="s")
    run = pl.kernel(
        _sc_body_1b,
        out_type=jax.ShapeDtypeStruct((T, C), jnp.float32),
        mesh=mesh,
        scratch_types=(
            [pltpu.VMEM((CR, C), jnp.float32)] * 6
            + [pltpu.SemaphoreType.DMA] * 10
        ),
        compiler_params=pltpu.CompilerParams(use_tc_tiling_on_sc=True),
    )
    return run(x.reshape(NROWS, C), embed_weight[:T])


def _hybrid_kernel(x, embed_weight):
    sc_out = _sc_kernel_1b(x, embed_weight)
    tc_out = _tc_kernel(x, embed_weight, nb=XB_OFF)
    return jnp.concatenate([tc_out, sc_out[None]], axis=0)


def _sc_kernel(x, embed_weight):
    mesh = plsc.VectorSubcoreMesh(core_axis_name="c", subcore_axis_name="s")
    run = pl.kernel(
        _sc_body,
        out_type=jax.ShapeDtypeStruct((NROWS, C), jnp.float32),
        mesh=mesh,
        scratch_types=(
            [pltpu.VMEM((CR, C), jnp.float32)] * 6
            + [pltpu.SemaphoreType.DMA] * 10
        ),
        compiler_params=pltpu.CompilerParams(use_tc_tiling_on_sc=True),
    )
    out = run(x.reshape(NROWS, C), embed_weight[:T])
    return out.reshape(B, T, C)


def kernel(x, embed_weight):
    return _sc_kernel(x, embed_weight)

# --- scband reference (transcript-rebuilt; emitter-appended) ---
"""Pipeline reference for scband-position-embedding-sine1d-21655225106674 (READ-ONLY COPY).

The authoritative reference and input builder live on the scoring server;
editing this copy changes nothing except your own understanding.
"""

import jax, jax.numpy as jnp
import numpy as np

MAX_LEN = 8192
HIDDEN_DIM = 1024
B, T, C = 4, 8192, 1024


def setup_inputs(seed: int = 0) -> dict:
    key = jax.random.key(seed)
    k1, k2 = jax.random.split(key)
    x = jax.random.normal(k1, (B, T, C), dtype=jnp.float32)
    # nn.Embedding default init: N(0, 1)
    embed_weight = jax.random.normal(k2, (MAX_LEN, HIDDEN_DIM), dtype=jnp.float32)
    return {"x": x, "embed_weight": embed_weight}


def reference(x, embed_weight):
    Bv, Tv, Cv = x.shape
    pos = jnp.arange(Tv, dtype=jnp.int32)[None, :]  # [1, T]
    pos = jnp.broadcast_to(pos, (Bv, Tv))           # [B, T]
    pe = jnp.take(embed_weight, pos, axis=0)        # [B, T, C] gather
    return x + pe

if __name__ == "__main__":
    import jax
    _d = setup_inputs()
    print(jax.jit(kernel)(*tuple(_d.values())))

</pallas_src>

<mosaic_0001>
#map = affine_map<(d0, d1) -> (0, 0)>
module attributes {stable_mosaic.version = 14 : i64} {
  func.func @_sc_body(%arg0: i32, %arg1: i32, %arg2: memref<32768x1024xf32, #tpu.memory_space<hbm>>, %arg3: memref<8192x1024xf32, #tpu.memory_space<hbm>>, %arg4: memref<32768x1024xf32, #tpu.memory_space<hbm>>, %arg5: memref<16x1024xf32, #tpu.memory_space<vmem>>, %arg6: memref<16x1024xf32, #tpu.memory_space<vmem>>, %arg7: memref<16x1024xf32, #tpu.memory_space<vmem>>, %arg8: memref<16x1024xf32, #tpu.memory_space<vmem>>, %arg9: memref<16x1024xf32, #tpu.memory_space<vmem>>, %arg10: memref<16x1024xf32, #tpu.memory_space<vmem>>, %arg11: memref<!tpu.dma_semaphore, #tpu.memory_space<semaphore_mem>>, %arg12: memref<!tpu.dma_semaphore, #tpu.memory_space<semaphore_mem>>, %arg13: memref<!tpu.dma_semaphore, #tpu.memory_space<semaphore_mem>>, %arg14: memref<!tpu.dma_semaphore, #tpu.memory_space<semaphore_mem>>, %arg15: memref<!tpu.dma_semaphore, #tpu.memory_space<semaphore_mem>>, %arg16: memref<!tpu.dma_semaphore, #tpu.memory_space<semaphore_mem>>, %arg17: memref<!tpu.dma_semaphore, #tpu.memory_space<semaphore_mem>>, %arg18: memref<!tpu.dma_semaphore, #tpu.memory_space<semaphore_mem>>, %arg19: memref<!tpu.dma_semaphore, #tpu.memory_space<semaphore_mem>>, %arg20: memref<!tpu.dma_semaphore, #tpu.memory_space<semaphore_mem>>) attributes {dimension_semantics = [#tpu.dimension_semantics<core_parallel>, #tpu.dimension_semantics<subcore_parallel>], iteration_bounds = array<i64: 2, 16>, scalar_prefetch = 0 : i64, scratch_operands = 16 : i64, tpu.core_type = #tpu.core_type<sc_vector_subcore>, window_params = [{transform_indices = #map}, {transform_indices = #map}, {transform_indices = #map}]} {
    %mul3A = arith.constant 2 : i32
    %mul3A_0 = arith.muli %arg1, %mul3A : i32
    %add3A = arith.addi %mul3A_0, %arg0 : i32
    %mul3A_1 = arith.constant 256 : i32
    %mul3A_2 = arith.muli %add3A, %mul3A_1 : i32
    %add3A_3 = arith.constant 0 : i32
    %add3A_4 = arith.addi %mul3A_2, %add3A_3 : i32
    %dma_start3A = arith.constant 0 : i32
    %dma_start3A_5 = tpu.memref_slice %arg3[%add3A_4, %dma_start3A] : memref<8192x1024xf32, #tpu.memory_space<hbm>> -> memref<16x1024xf32, #tpu.memory_space<hbm>>
    %dma_start3A_6 = arith.constant 0 : i32
    %dma_start3A_7 = tpu.memref_slice %arg3[%add3A_4, %dma_start3A_6] : memref<8192x1024xf32, #tpu.memory_space<hbm>> -> memref<16x1024xf32, #tpu.memory_space<hbm>>
    tpu.enqueue_dma source(%dma_start3A_7 : memref<16x1024xf32, #tpu.memory_space<hbm>>) target(%arg9 : memref<16x1024xf32, #tpu.memory_space<vmem>>) target_semaphore(%arg19 : memref<!tpu.dma_semaphore, #tpu.memory_space<semaphore_mem>>)
    %add3A_8 = arith.constant 0 : i32
    %add3A_9 = arith.addi %add3A_8, %mul3A_2 : i32
    %add3A_10 = arith.constant 0 : i32
    %add3A_11 = arith.addi %add3A_9, %add3A_10 : i32
    %dma_start3A_12 = arith.constant 0 : i32
    %dma_start3A_13 = tpu.memref_slice %arg2[%add3A_11, %dma_start3A_12] : memref<32768x1024xf32, #tpu.memory_space<hbm>> -> memref<16x1024xf32, #tpu.memory_space<hbm>>
    %dma_start3A_14 = arith.constant 0 : i32
    %dma_start3A_15 = tpu.memref_slice %arg2[%add3A_11, %dma_start3A_14] : memref<32768x1024xf32, #tpu.memory_space<hbm>> -> memref<16x1024xf32, #tpu.memory_space<hbm>>
    tpu.enqueue_dma source(%dma_start3A_15 : memref<16x1024xf32, #tpu.memory_space<hbm>>) target(%arg5 : memref<16x1024xf32, #tpu.memory_space<vmem>>) target_semaphore(%arg11 : memref<!tpu.dma_semaphore, #tpu.memory_space<semaphore_mem>>)
    %add3A_16 = arith.constant 8192 : i32
    %add3A_17 = arith.addi %add3A_16, %mul3A_2 : i32
    %add3A_18 = arith.constant 0 : i32
    %add3A_19 = arith.addi %add3A_17, %add3A_18 : i32
    %dma_start3A_20 = arith.constant 0 : i32
    %dma_start3A_21 = tpu.memref_slice %arg2[%add3A_19, %dma_start3A_20] : memref<32768x1024xf32, #tpu.memory_space<hbm>> -> memref<16x1024xf32, #tpu.memory_space<hbm>>
    %dma_start3A_22 = arith.constant 0 : i32
    %dma_start3A_23 = tpu.memref_slice %arg2[%add3A_19, %dma_start3A_22] : memref<32768x1024xf32, #tpu.memory_space<hbm>> -> memref<16x1024xf32, #tpu.memory_space<hbm>>
    tpu.enqueue_dma source(%dma_start3A_23 : memref<16x1024xf32, #tpu.memory_space<hbm>>) target(%arg6 : memref<16x1024xf32, #tpu.memory_space<vmem>>) target_semaphore(%arg12 : memref<!tpu.dma_semaphore, #tpu.memory_space<semaphore_mem>>)
    %scan3A = arith.constant 0 : i32
    %scan3A_24 = arith.constant 8 : i32
    %scan3A_25 = arith.addi %scan3A, %scan3A_24 : i32
    %scan3A_26 = arith.constant 1 : i32
    scf.for %scan3A_51 = %scan3A to %scan3A_25 step %scan3A_26  : i32 {
      %mul3A_52 = arith.constant 2 : i32
      %mul3A_53 = arith.muli %scan3A_51, %mul3A_52 : i32
      %add3A_54 = arith.constant 0 : i32
      %add3A_55 = arith.addi %add3A_54, %mul3A_53 : i32
      %add3A_56 = arith.constant 0 : i32
      %add3A_57 = arith.addi %add3A_55, %add3A_56 : i32
      %dma_wait3A_58 = arith.constant 0 : i32
      %dma_wait3A_59 = arith.constant 0 : i32
      %dma_wait3A_60 = tpu.memref_slice %arg3[%dma_wait3A_58, %dma_wait3A_59] : memref<8192x1024xf32, #tpu.memory_space<hbm>> -> memref<16x1024xf32, #tpu.memory_space<hbm>>
      %dma_wait3A_61 = arith.constant 0 : i32
      %dma_wait3A_62 = arith.constant 0 : i32
      %dma_wait3A_63 = tpu.memref_slice %arg3[%dma_wait3A_61, %dma_wait3A_62] : memref<8192x1024xf32, #tpu.memory_space<hbm>> -> memref<16x1024xf32, #tpu.memory_space<hbm>>
      tpu.wait_dma2 semaphore(%arg19 : memref<!tpu.dma_semaphore, #tpu.memory_space<semaphore_mem>>) src(%dma_wait3A_63 : memref<16x1024xf32, #tpu.memory_space<hbm>>) dst(%arg9 : memref<16x1024xf32, #tpu.memory_space<vmem>>)
      %add3A_64 = arith.constant 1 : i32
      %add3A_65 = arith.addi %add3A_57, %add3A_64 : i32
      %lt3A = arith.constant 16 : i32
      %lt3A_66 = arith.cmpi slt, %add3A_65, %lt3A : i32
      %convert_element_type3A = arith.extui %lt3A_66 : i1 to i32
      %cond3A = arith.constant 0 : i32
      %cond3A_67 = arith.cmpi ne, %convert_element_type3A, %cond3A : i32
      scf.if %cond3A_67 {
        %add3A_341 = arith.constant 1 : i32
        %add3A_342 = arith.addi %add3A_57, %add3A_341 : i32
        %mul3A_343 = arith.constant 16 : i32
        %mul3A_344 = arith.muli %add3A_342, %mul3A_343 : i32
        %add3A_345 = arith.addi %mul3A_2, %mul3A_344 : i32
        %dma_start3A_346 = arith.constant 0 : i32
        %dma_start3A_347 = tpu.memref_slice %arg3[%add3A_345, %dma_start3A_346] : memref<8192x1024xf32, #tpu.memory_space<hbm>> -> memref<16x1024xf32, #tpu.memory_space<hbm>>
        %dma_start3A_348 = arith.constant 0 : i32
        %dma_start3A_349 = tpu.memref_slice %arg3[%add3A_345, %dma_start3A_348] : memref<8192x1024xf32, #tpu.memory_space<hbm>> -> memref<16x1024xf32, #tpu.memory_space<hbm>>
        tpu.enqueue_dma source(%dma_start3A_349 : memref<16x1024xf32, #tpu.memory_space<hbm>>) target(%arg10 : memref<16x1024xf32, #tpu.memory_space<vmem>>) target_semaphore(%arg20 : memref<!tpu.dma_semaphore, #tpu.memory_space<semaphore_mem>>)
      } else {
      }
      %mul3A_68 = arith.constant 4 : i32
      %mul3A_69 = arith.muli %add3A_57, %mul3A_68 : i32
      %add3A_70 = arith.constant 0 : i32
      %add3A_71 = arith.addi %mul3A_69, %add3A_70 : i32
      %dma_wait3A_72 = arith.constant 0 : i32
      %dma_wait3A_73 = arith.constant 0 : i32
      %dma_wait3A_74 = tpu.memref_slice %arg2[%dma_wait3A_72, %dma_wait3A_73] : memref<32768x1024xf32, #tpu.memory_space<hbm>> -> memref<16x1024xf32, #tpu.memory_space<hbm>>
      %dma_wait3A_75 = arith.constant 0 : i32
      %dma_wait3A_76 = arith.constant 0 : i32
      %dma_wait3A_77 = tpu.memref_slice %arg2[%dma_wait3A_75, %dma_wait3A_76] : memref<32768x1024xf32, #tpu.memory_space<hbm>> -> memref<16x1024xf32, #tpu.memory_space<hbm>>
      tpu.wait_dma2 semaphore(%arg11 : memref<!tpu.dma_semaphore, #tpu.memory_space<semaphore_mem>>) src(%dma_wait3A_77 : memref<16x1024xf32, #tpu.memory_space<hbm>>) dst(%arg5 : memref<16x1024xf32, #tpu.memory_space<vmem>>)
      %ge3A = arith.constant 2 : i32
      %ge3A_78 = arith.cmpi sge, %add3A_71, %ge3A : i32
      %convert_element_type3A_79 = arith.extui %ge3A_78 : i1 to i32
      %cond3A_80 = arith.constant 0 : i32
      %cond3A_81 = arith.cmpi ne, %convert_element_type3A_79, %cond3A_80 : i32
      scf.if %cond3A_81 {
        %dma_wait3A_341 = arith.constant 0 : i32
        %dma_wait3A_342 = arith.constant 0 : i32
        %dma_wait3A_343 = tpu.memref_slice %arg4[%dma_wait3A_341, %dma_wait3A_342] : memref<32768x1024xf32, #tpu.memory_space<hbm>> -> memref<16x1024xf32, #tpu.memory_space<hbm>>
        %dma_wait3A_344 = arith.constant 0 : i32
        %dma_wait3A_345 = arith.constant 0 : i32
        %dma_wait3A_346 = tpu.memref_slice %arg4[%dma_wait3A_344, %dma_wait3A_345] : memref<32768x1024xf32, #tpu.memory_space<hbm>> -> memref<16x1024xf32, #tpu.memory_space<hbm>>
        tpu.wait_dma2 semaphore(%arg17 : memref<!tpu.dma_semaphore, #tpu.memory_space<semaphore_mem>>) src(%arg7 : memref<16x1024xf32, #tpu.memory_space<vmem>>) dst(%dma_wait3A_346 : memref<16x1024xf32, #tpu.memory_space<hbm>>)
      } else {
      }
      %add3A_82 = arith.constant 16384 : i32
      %add3A_83 = arith.addi %add3A_82, %mul3A_2 : i32
      %mul3A_84 = arith.constant 16 : i32
      %mul3A_85 = arith.muli %add3A_57, %mul3A_84 : i32
      %add3A_86 = arith.addi %add3A_83, %mul3A_85 : i32
      %dma_start3A_87 = arith.constant 0 : i32
      %dma_start3A_88 = tpu.memref_slice %arg2[%add3A_86, %dma_start3A_87] : memref<32768x1024xf32, #tpu.memory_space<hbm>> -> memref<16x1024xf32, #tpu.memory_space<hbm>>
      %dma_start3A_89 = arith.constant 0 : i32
      %dma_start3A_90 = tpu.memref_slice %arg2[%add3A_86, %dma_start3A_89] : memref<32768x1024xf32, #tpu.memory_space<hbm>> -> memref<16x1024xf32, #tpu.memory_space<hbm>>
      tpu.enqueue_dma source(%dma_start3A_90 : memref<16x1024xf32, #tpu.memory_space<hbm>>) target(%arg7 : memref<16x1024xf32, #tpu.memory_space<vmem>>) target_semaphore(%arg13 : memref<!tpu.dma_semaphore, #tpu.memory_space<semaphore_mem>>)
      %parallel_loop3A = arith.constant 0 : i32
      %parallel_loop3A_91 = arith.constant 1024 : i32
      %parallel_loop3A_92 = arith.constant 1 : i32
      scf.for %parallel_loop3A_341 = %parallel_loop3A to %parallel_loop3A_91 step %parallel_loop3A_92  : i32 {
        %parallel_loop3A_342 = arith.constant 64 : i32
        %parallel_loop3A_343 = arith.divsi %parallel_loop3A_341, %parallel_loop3A_342 : i32
        %parallel_loop3A_344 = arith.constant 0 : i32
        %parallel_loop3A_345 = arith.cmpi sgt, %parallel_loop3A_341, %parallel_loop3A_344 : i32
        %parallel_loop3A_346 = arith.extui %parallel_loop3A_345 : i1 to i32
        %parallel_loop3A_347 = arith.constant 0 : i32
        %parallel_loop3A_348 = arith.cmpi slt, %parallel_loop3A_341, %parallel_loop3A_347 : i32
        %parallel_loop3A_349 = arith.extui %parallel_loop3A_348 : i1 to i32
        %parallel_loop3A_350 = arith.subi %parallel_loop3A_346, %parallel_loop3A_349 : i32
        %parallel_loop3A_351 = arith.constant 0 : i32
        %parallel_loop3A_352 = arith.cmpi sgt, %parallel_loop3A_342, %parallel_loop3A_351 : i32
        %parallel_loop3A_353 = arith.extui %parallel_loop3A_352 : i1 to i32
        %parallel_loop3A_354 = arith.constant 0 : i32
        %parallel_loop3A_355 = arith.cmpi slt, %parallel_loop3A_342, %parallel_loop3A_354 : i32
        %parallel_loop3A_356 = arith.extui %parallel_loop3A_355 : i1 to i32
        %parallel_loop3A_357 = arith.subi %parallel_loop3A_353, %parallel_loop3A_356 : i32
        %parallel_loop3A_358 = arith.cmpi ne, %parallel_loop3A_350, %parallel_loop3A_357 : i32
        %parallel_loop3A_359 = arith.remsi %parallel_loop3A_341, %parallel_loop3A_342 : i32
        %parallel_loop3A_360 = arith.constant 0 : i32
        %parallel_loop3A_361 = arith.cmpi ne, %parallel_loop3A_359, %parallel_loop3A_360 : i32
        %parallel_loop3A_362 = arith.andi %parallel_loop3A_358, %parallel_loop3A_361 : i1
        %parallel_loop3A_363 = arith.constant 1 : i32
        %parallel_loop3A_364 = arith.subi %parallel_loop3A_343, %parallel_loop3A_363 : i32
        %parallel_loop3A_365 = arith.select %parallel_loop3A_362, %parallel_loop3A_364, %parallel_loop3A_343 : i32
        %parallel_loop3A_366 = arith.constant 64 : i32
        %parallel_loop3A_367 = arith.constant 0 : i32
        %parallel_loop3A_368 = arith.cmpi eq, %parallel_loop3A_366, %parallel_loop3A_367 : i32
        %parallel_loop3A_369 = arith.constant 1 : i32
        %parallel_loop3A_370 = arith.select %parallel_loop3A_368, %parallel_loop3A_369, %parallel_loop3A_366 : i32
        %parallel_loop3A_371 = arith.remsi %parallel_loop3A_341, %parallel_loop3A_370 : i32
        %parallel_loop3A_372 = arith.constant 0 : i32
        %parallel_loop3A_373 = arith.cmpi ne, %parallel_loop3A_371, %parallel_loop3A_372 : i32
        %parallel_loop3A_374 = arith.constant 0 : i32
        %parallel_loop3A_375 = arith.cmpi slt, %parallel_loop3A_371, %parallel_loop3A_374 : i32
        %parallel_loop3A_376 = arith.constant 0 : i32
        %parallel_loop3A_377 = arith.cmpi slt, %parallel_loop3A_370, %parallel_loop3A_376 : i32
        %parallel_loop3A_378 = arith.xori %parallel_loop3A_375, %parallel_loop3A_377 : i1
        %parallel_loop3A_379 = arith.andi %parallel_loop3A_378, %parallel_loop3A_373 : i1
        %parallel_loop3A_380 = arith.addi %parallel_loop3A_371, %parallel_loop3A_370 : i32
        %parallel_loop3A_381 = arith.select %parallel_loop3A_379, %parallel_loop3A_380, %parallel_loop3A_371 : i32
        %parallel_loop3A_382 = arith.constant 16 : i32
        %parallel_loop3A_383 = arith.muli %parallel_loop3A_381, %parallel_loop3A_382 : i32
        %parallel_loop3A_384 = arith.index_cast %parallel_loop3A_365 : i32 to index
        %parallel_loop3A_385 = arith.index_cast %parallel_loop3A_383 : i32 to index
        %parallel_loop3A_386 = tpu.vector_load %arg9[%parallel_loop3A_384, %parallel_loop3A_385] {strides = array<i32>} : memref<16x1024xf32, #tpu.memory_space<vmem>>, vector<1x16xf32>,
        %parallel_loop3A_387 = vector.shape_cast %parallel_loop3A_386 : vector<1x16xf32> to vector<16xf32>
        %parallel_loop3A_388 = arith.index_cast %parallel_loop3A_365 : i32 to index
        %parallel_loop3A_389 = arith.index_cast %parallel_loop3A_383 : i32 to index
        %parallel_loop3A_390 = tpu.vector_load %arg5[%parallel_loop3A_388, %parallel_loop3A_389] {strides = array<i32>} : memref<16x1024xf32, #tpu.memory_space<vmem>>, vector<1x16xf32>,
        %parallel_loop3A_391 = vector.shape_cast %parallel_loop3A_390 : vector<1x16xf32> to vector<16xf32>
        %parallel_loop3A_392 = vector.shape_cast %parallel_loop3A_387 : vector<16xf32> to vector<1x16xf32>
        tpu.vector_store %arg5[%parallel_loop3A_388, %parallel_loop3A_389], %parallel_loop3A_392 {add = true, strides = array<i32>} : memref<16x1024xf32, #tpu.memory_space<vmem>>, vector<1x16xf32>,
      } {sc.loop_unroll_factor = 8 : i64, sc.parallel_access}
      %add3A_93 = arith.constant 0 : i32
      %add3A_94 = arith.addi %add3A_93, %mul3A_2 : i32
      %mul3A_95 = arith.constant 16 : i32
      %mul3A_96 = arith.muli %add3A_57, %mul3A_95 : i32
      %add3A_97 = arith.addi %add3A_94, %mul3A_96 : i32
      %dma_start3A_98 = arith.constant 0 : i32
      %dma_start3A_99 = tpu.memref_slice %arg4[%add3A_97, %dma_start3A_98] : memref<32768x1024xf32, #tpu.memory_space<hbm>> -> memref<16x1024xf32, #tpu.memory_space<hbm>>
      %dma_start3A_100 = arith.constant 0 : i32
      %dma_start3A_101 = tpu.memref_slice %arg4[%add3A_97, %dma_start3A_100] : memref<32768x1024xf32, #tpu.memory_space<hbm>> -> memref<16x1024xf32, #tpu.memory_space<hbm>>
      tpu.enqueue_dma source(%arg5 : memref<16x1024xf32, #tpu.memory_space<vmem>>) target(%dma_start3A_101 : memref<16x1024xf32, #tpu.memory_space<hbm>>) target_semaphore(%arg15 : memref<!tpu.dma_semaphore, #tpu.memory_space<semaphore_mem>>)
      %mul3A_102 = arith.constant 4 : i32
      %mul3A_103 = arith.muli %add3A_57, %mul3A_102 : i32
      %add3A_104 = arith.constant 1 : i32
      %add3A_105 = arith.addi %mul3A_103, %add3A_104 : i32
      %dma_wait3A_106 = arith.constant 0 : i32
      %dma_wait3A_107 = arith.constant 0 : i32
      %dma_wait3A_108 = tpu.memref_slice %arg2[%dma_wait3A_106, %dma_wait3A_107] : memref<32768x1024xf32, #tpu.memory_space<hbm>> -> memref<16x1024xf32, #tpu.memory_space<hbm>>
      %dma_wait3A_109 = arith.constant 0 : i32
      %dma_wait3A_110 = arith.constant 0 : i32
      %dma_wait3A_111 = tpu.memref_slice %arg2[%dma_wait3A_109, %dma_wait3A_110] : memref<32768x1024xf32, #tpu.memory_space<hbm>> -> memref<16x1024xf32, #tpu.memory_space<hbm>>
      tpu.wait_dma2 semaphore(%arg12 : memref<!tpu.dma_semaphore, #tpu.memory_space<semaphore_mem>>) src(%dma_wait3A_111 : memref<16x1024xf32, #tpu.memory_space<hbm>>) dst(%arg6 : memref<16x1024xf32, #tpu.memory_space<vmem>>)
      %ge3A_112 = arith.constant 2 : i32
      %ge3A_113 = arith.cmpi sge, %add3A_105, %ge3A_112 : i32
      %convert_element_type3A_114 = arith.extui %ge3A_113 : i1 to i32
      %cond3A_115 = arith.constant 0 : i32
      %cond3A_116 = arith.cmpi ne, %convert_element_type3A_114, %cond3A_115 : i32
      scf.if %cond3A_116 {
        %dma_wait3A_341 = arith.constant 0 : i32
        %dma_wait3A_342 = arith.constant 0 : i32
        %dma_wait3A_343 = tpu.memref_slice %arg4[%dma_wait3A_341, %dma_wait3A_342] : memref<32768x1024xf32, #tpu.memory_space<hbm>> -> memref<16x1024xf32, #tpu.memory_space<hbm>>
        %dma_wait3A_344 = arith.constant 0 : i32
        %dma_wait3A_345 = arith.constant 0 : i32
        %dma_wait3A_346 = tpu.memref_slice %arg4[%dma_wait3A_344, %dma_wait3A_345] : memref<32768x1024xf32, #tpu.memory_space<hbm>> -> memref<16x1024xf32, #tpu.memory_space<hbm>>
        tpu.wait_dma2 semaphore(%arg18 : memref<!tpu.dma_semaphore, #tpu.memory_space<semaphore_mem>>) src(%arg8 : memref<16x1024xf32, #tpu.memory_space<vmem>>) dst(%dma_wait3A_346 : memref<16x1024xf32, #tpu.memory_space<hbm>>)
      } else {
      }
      %add3A_117 = arith.constant 24576 : i32
      %add3A_118 = arith.addi %add3A_117, %mul3A_2 : i32
      %mul3A_119 = arith.constant 16 : i32
      %mul3A_120 = arith.muli %add3A_57, %mul3A_119 : i32
      %add3A_121 = arith.addi %add3A_118, %mul3A_120 : i32
      %dma_start3A_122 = arith.constant 0 : i32
      %dma_start3A_123 = tpu.memref_slice %arg2[%add3A_121, %dma_start3A_122] : memref<32768x1024xf32, #tpu.memory_space<hbm>> -> memref<16x1024xf32, #tpu.memory_space<hbm>>
      %dma_start3A_124 = arith.constant 0 : i32
      %dma_start3A_125 = tpu.memref_slice %arg2[%add3A_121, %dma_start3A_124] : memref<32768x1024xf32, #tpu.memory_space<hbm>> -> memref<16x1024xf32, #tpu.memory_space<hbm>>
      tpu.enqueue_dma source(%dma_start3A_125 : memref<16x1024xf32, #tpu.memory_space<hbm>>) target(%arg8 : memref<16x1024xf32, #tpu.memory_space<vmem>>) target_semaphore(%arg14 : memref<!tpu.dma_semaphore, #tpu.memory_space<semaphore_mem>>)
      %parallel_loop3A_126 = arith.constant 0 : i32
      %parallel_loop3A_127 = arith.constant 1024 : i32
      %parallel_loop3A_128 = arith.constant 1 : i32
      scf.for %parallel_loop3A_341 = %parallel_loop3A_126 to %parallel_loop3A_127 step %parallel_loop3A_128  : i32 {
        %parallel_loop3A_342 = arith.constant 64 : i32
        %parallel_loop3A_343 = arith.divsi %parallel_loop3A_341, %parallel_loop3A_342 : i32
        %parallel_loop3A_344 = arith.constant 0 : i32
        %parallel_loop3A_345 = arith.cmpi sgt, %parallel_loop3A_341, %parallel_loop3A_344 : i32
        %parallel_loop3A_346 = arith.extui %parallel_loop3A_345 : i1 to i32
        %parallel_loop3A_347 = arith.constant 0 : i32
        %parallel_loop3A_348 = arith.cmpi slt, %parallel_loop3A_341, %parallel_loop3A_347 : i32
        %parallel_loop3A_349 = arith.extui %parallel_loop3A_348 : i1 to i32
        %parallel_loop3A_350 = arith.subi %parallel_loop3A_346, %parallel_loop3A_349 : i32
        %parallel_loop3A_351 = arith.constant 0 : i32
        %parallel_loop3A_352 = arith.cmpi sgt, %parallel_loop3A_342, %parallel_loop3A_351 : i32
        %parallel_loop3A_353 = arith.extui %parallel_loop3A_352 : i1 to i32
        %parallel_loop3A_354 = arith.constant 0 : i32
        %parallel_loop3A_355 = arith.cmpi slt, %parallel_loop3A_342, %parallel_loop3A_354 : i32
        %parallel_loop3A_356 = arith.extui %parallel_loop3A_355 : i1 to i32
        %parallel_loop3A_357 = arith.subi %parallel_loop3A_353, %parallel_loop3A_356 : i32
        %parallel_loop3A_358 = arith.cmpi ne, %parallel_loop3A_350, %parallel_loop3A_357 : i32
        %parallel_loop3A_359 = arith.remsi %parallel_loop3A_341, %parallel_loop3A_342 : i32
        %parallel_loop3A_360 = arith.constant 0 : i32
        %parallel_loop3A_361 = arith.cmpi ne, %parallel_loop3A_359, %parallel_loop3A_360 : i32
        %parallel_loop3A_362 = arith.andi %parallel_loop3A_358, %parallel_loop3A_361 : i1
        %parallel_loop3A_363 = arith.constant 1 : i32
        %parallel_loop3A_364 = arith.subi %parallel_loop3A_343, %parallel_loop3A_363 : i32
        %parallel_loop3A_365 = arith.select %parallel_loop3A_362, %parallel_loop3A_364, %parallel_loop3A_343 : i32
        %parallel_loop3A_366 = arith.constant 64 : i32
        %parallel_loop3A_367 = arith.constant 0 : i32
        %parallel_loop3A_368 = arith.cmpi eq, %parallel_loop3A_366, %parallel_loop3A_367 : i32
        %parallel_loop3A_369 = arith.constant 1 : i32
        %parallel_loop3A_370 = arith.select %parallel_loop3A_368, %parallel_loop3A_369, %parallel_loop3A_366 : i32
        %parallel_loop3A_371 = arith.remsi %parallel_loop3A_341, %parallel_loop3A_370 : i32
        %parallel_loop3A_372 = arith.constant 0 : i32
        %parallel_loop3A_373 = arith.cmpi ne, %parallel_loop3A_371, %parallel_loop3A_372 : i32
        %parallel_loop3A_374 = arith.constant 0 : i32
        %parallel_loop3A_375 = arith.cmpi slt, %parallel_loop3A_371, %parallel_loop3A_374 : i32
        %parallel_loop3A_376 = arith.constant 0 : i32
        %parallel_loop3A_377 = arith.cmpi slt, %parallel_loop3A_370, %parallel_loop3A_376 : i32
        %parallel_loop3A_378 = arith.xori %parallel_loop3A_375, %parallel_loop3A_377 : i1
        %parallel_loop3A_379 = arith.andi %parallel_loop3A_378, %parallel_loop3A_373 : i1
        %parallel_loop3A_380 = arith.addi %parallel_loop3A_371, %parallel_loop3A_370 : i32
        %parallel_loop3A_381 = arith.select %parallel_loop3A_379, %parallel_loop3A_380, %parallel_loop3A_371 : i32
        %parallel_loop3A_382 = arith.constant 16 : i32
        %parallel_loop3A_383 = arith.muli %parallel_loop3A_381, %parallel_loop3A_382 : i32
        %parallel_loop3A_384 = arith.index_cast %parallel_loop3A_365 : i32 to index
        %parallel_loop3A_385 = arith.index_cast %parallel_loop3A_383 : i32 to index
        %parallel_loop3A_386 = tpu.vector_load %arg9[%parallel_loop3A_384, %parallel_loop3A_385] {strides = array<i32>} : memref<16x1024xf32, #tpu.memory_space<vmem>>, vector<1x16xf32>,
        %parallel_loop3A_387 = vector.shape_cast %parallel_loop3A_386 : vector<1x16xf32> to vector<16xf32>
        %parallel_loop3A_388 = arith.index_cast %parallel_loop3A_365 : i32 to index
        %parallel_loop3A_389 = arith.index_cast %parallel_loop3A_383 : i32 to index
        %parallel_loop3A_390 = tpu.vector_load %arg6[%parallel_loop3A_388, %parallel_loop3A_389] {strides = array<i32>} : memref<16x1024xf32, #tpu.memory_space<vmem>>, vector<1x16xf32>,
        %parallel_loop3A_391 = vector.shape_cast %parallel_loop3A_390 : vector<1x16xf32> to vector<16xf32>
        %parallel_loop3A_392 = vector.shape_cast %parallel_loop3A_387 : vector<16xf32> to vector<1x16xf32>
        tpu.vector_store %arg6[%parallel_loop3A_388, %parallel_loop3A_389], %parallel_loop3A_392 {add = true, strides = array<i32>} : memref<16x1024xf32, #tpu.memory_space<vmem>>, vector<1x16xf32>,
      } {sc.loop_unroll_factor = 8 : i64, sc.parallel_access}
      %add3A_129 = arith.constant 8192 : i32
      %add3A_130 = arith.addi %add3A_129, %mul3A_2 : i32
      %mul3A_131 = arith.constant 16 : i32
      %mul3A_132 = arith.muli %add3A_57, %mul3A_131 : i32
      %add3A_133 = arith.addi %add3A_130, %mul3A_132 : i32
      %dma_start3A_134 = arith.constant 0 : i32
      %dma_start3A_135 = tpu.memref_slice %arg4[%add3A_133, %dma_start3A_134] : memref<32768x1024xf32, #tpu.memory_space<hbm>> -> memref<16x1024xf32, #tpu.memory_space<hbm>>
      %dma_start3A_136 = arith.constant 0 : i32
      %dma_start3A_137 = tpu.memref_slice %arg4[%add3A_133, %dma_start3A_136] : memref<32768x1024xf32, #tpu.memory_space<hbm>> -> memref<16x1024xf32, #tpu.memory_space<hbm>>
      tpu.enqueue_dma source(%arg6 : memref<16x1024xf32, #tpu.memory_space<vmem>>) target(%dma_start3A_137 : memref<16x1024xf32, #tpu.memory_space<hbm>>) target_semaphore(%arg16 : memref<!tpu.dma_semaphore, #tpu.memory_space<semaphore_mem>>)
      %mul3A_138 = arith.constant 4 : i32
      %mul3A_139 = arith.muli %add3A_57, %mul3A_138 : i32
      %add3A_140 = arith.constant 2 : i32
      %add3A_141 = arith.addi %mul3A_139, %add3A_140 : i32
      %dma_wait3A_142 = arith.constant 0 : i32
      %dma_wait3A_143 = arith.constant 0 : i32
      %dma_wait3A_144 = tpu.memref_slice %arg2[%dma_wait3A_142, %dma_wait3A_143] : memref<32768x1024xf32, #tpu.memory_space<hbm>> -> memref<16x1024xf32, #tpu.memory_space<hbm>>
      %dma_wait3A_145 = arith.constant 0 : i32
      %dma_wait3A_146 = arith.constant 0 : i32
      %dma_wait3A_147 = tpu.memref_slice %arg2[%dma_wait3A_145, %dma_wait3A_146] : memref<32768x1024xf32, #tpu.memory_space<hbm>> -> memref<16x1024xf32, #tpu.memory_space<hbm>>
      tpu.wait_dma2 semaphore(%arg13 : memref<!tpu.dma_semaphore, #tpu.memory_space<semaphore_mem>>) src(%dma_wait3A_147 : memref<16x1024xf32, #tpu.memory_space<hbm>>) dst(%arg7 : memref<16x1024xf32, #tpu.memory_space<vmem>>)
      %add3A_148 = arith.constant 1 : i32
      %add3A_149 = arith.addi %add3A_57, %add3A_148 : i32
      %lt3A_150 = arith.constant 16 : i32
      %lt3A_151 = arith.cmpi slt, %add3A_149, %lt3A_150 : i32
      %convert_element_type3A_152 = arith.extui %lt3A_151 : i1 to i32
      %cond3A_153 = arith.constant 0 : i32
      %cond3A_154 = arith.cmpi ne, %convert_element_type3A_152, %cond3A_153 : i32
      scf.if %cond3A_154 {
        %dma_wait3A_341 = arith.constant 0 : i32
        %dma_wait3A_342 = arith.constant 0 : i32
        %dma_wait3A_343 = tpu.memref_slice %arg4[%dma_wait3A_341, %dma_wait3A_342] : memref<32768x1024xf32, #tpu.memory_space<hbm>> -> memref<16x1024xf32, #tpu.memory_space<hbm>>
        %dma_wait3A_344 = arith.constant 0 : i32
        %dma_wait3A_345 = arith.constant 0 : i32
        %dma_wait3A_346 = tpu.memref_slice %arg4[%dma_wait3A_344, %dma_wait3A_345] : memref<32768x1024xf32, #tpu.memory_space<hbm>> -> memref<16x1024xf32, #tpu.memory_space<hbm>>
        tpu.wait_dma2 semaphore(%arg15 : memref<!tpu.dma_semaphore, #tpu.memory_space<semaphore_mem>>) src(%arg5 : memref<16x1024xf32, #tpu.memory_space<vmem>>) dst(%dma_wait3A_346 : memref<16x1024xf32, #tpu.memory_space<hbm>>)
        %add3A_347 = arith.constant 1 : i32
        %add3A_348 = arith.addi %add3A_57, %add3A_347 : i32
        %add3A_349 = arith.constant 0 : i32
        %add3A_350 = arith.addi %add3A_349, %mul3A_2 : i32
        %mul3A_351 = arith.constant 16 : i32
        %mul3A_352 = arith.muli %add3A_348, %mul3A_351 : i32
        %add3A_353 = arith.addi %add3A_350, %mul3A_352 : i32
        %dma_start3A_354 = arith.constant 0 : i32
        %dma_start3A_355 = tpu.memref_slice %arg2[%add3A_353, %dma_start3A_354] : memref<32768x1024xf32, #tpu.memory_space<hbm>> -> memref<16x1024xf32, #tpu.memory_space<hbm>>
        %dma_start3A_356 = arith.constant 0 : i32
        %dma_start3A_357 = tpu.memref_slice %arg2[%add3A_353, %dma_start3A_356] : memref<32768x1024xf32, #tpu.memory_space<hbm>> -> memref<16x1024xf32, #tpu.memory_space<hbm>>
        tpu.enqueue_dma source(%dma_start3A_357 : memref<16x1024xf32, #tpu.memory_space<hbm>>) target(%arg5 : memref<16x1024xf32, #tpu.memory_space<vmem>>) target_semaphore(%arg11 : memref<!tpu.dma_semaphore, #tpu.memory_space<semaphore_mem>>)
      } else {
      }
      %parallel_loop3A_155 = arith.constant 0 : i32
      %parallel_loop3A_156 = arith.constant 1024 : i32
      %parallel_loop3A_157 = arith.constant 1 : i32
      scf.for %parallel_loop3A_341 = %parallel_loop3A_155 to %parallel_loop3A_156 step %parallel_loop3A_157  : i32 {
        %parallel_loop3A_342 = arith.constant 64 : i32
        %parallel_loop3A_343 = arith.divsi %parallel_loop3A_341, %parallel_loop3A_342 : i32
        %parallel_loop3A_344 = arith.constant 0 : i32
        %parallel_loop3A_345 = arith.cmpi sgt, %parallel_loop3A_341, %parallel_loop3A_344 : i32
        %parallel_loop3A_346 = arith.extui %parallel_loop3A_345 : i1 to i32
        %parallel_loop3A_347 = arith.constant 0 : i32
        %parallel_loop3A_348 = arith.cmpi slt, %parallel_loop3A_341, %parallel_loop3A_347 : i32
        %parallel_loop3A_349 = arith.extui %parallel_loop3A_348 : i1 to i32
        %parallel_loop3A_350 = arith.subi %parallel_loop3A_346, %parallel_loop3A_349 : i32
        %parallel_loop3A_351 = arith.constant 0 : i32
        %parallel_loop3A_352 = arith.cmpi sgt, %parallel_loop3A_342, %parallel_loop3A_351 : i32
        %parallel_loop3A_353 = arith.extui %parallel_loop3A_352 : i1 to i32
        %parallel_loop3A_354 = arith.constant 0 : i32
        %parallel_loop3A_355 = arith.cmpi slt, %parallel_loop3A_342, %parallel_loop3A_354 : i32
        %parallel_loop3A_356 = arith.extui %parallel_loop3A_355 : i1 to i32
        %parallel_loop3A_357 = arith.subi %parallel_loop3A_353, %parallel_loop3A_356 : i32
        %parallel_loop3A_358 = arith.cmpi ne, %parallel_loop3A_350, %parallel_loop3A_357 : i32
        %parallel_loop3A_359 = arith.remsi %parallel_loop3A_341, %parallel_loop3A_342 : i32
        %parallel_loop3A_360 = arith.constant 0 : i32
        %parallel_loop3A_361 = arith.cmpi ne, %parallel_loop3A_359, %parallel_loop3A_360 : i32
        %parallel_loop3A_362 = arith.andi %parallel_loop3A_358, %parallel_loop3A_361 : i1
        %parallel_loop3A_363 = arith.constant 1 : i32
        %parallel_loop3A_364 = arith.subi %parallel_loop3A_343, %parallel_loop3A_363 : i32
        %parallel_loop3A_365 = arith.select %parallel_loop3A_362, %parallel_loop3A_364, %parallel_loop3A_343 : i32
        %parallel_loop3A_366 = arith.constant 64 : i32
        %parallel_loop3A_367 = arith.constant 0 : i32
        %parallel_loop3A_368 = arith.cmpi eq, %parallel_loop3A_366, %parallel_loop3A_367 : i32
        %parallel_loop3A_369 = arith.constant 1 : i32
        %parallel_loop3A_370 = arith.select %parallel_loop3A_368, %parallel_loop3A_369, %parallel_loop3A_366 : i32
        %parallel_loop3A_371 = arith.remsi %parallel_loop3A_341, %parallel_loop3A_370 : i32
        %parallel_loop3A_372 = arith.constant 0 : i32
        %parallel_loop3A_373 = arith.cmpi ne, %parallel_loop3A_371, %parallel_loop3A_372 : i32
        %parallel_loop3A_374 = arith.constant 0 : i32
        %parallel_loop3A_375 = arith.cmpi slt, %parallel_loop3A_371, %parallel_loop3A_374 : i32
        %parallel_loop3A_376 = arith.constant 0 : i32
        %parallel_loop3A_377 = arith.cmpi slt, %parallel_loop3A_370, %parallel_loop3A_376 : i32
        %parallel_loop3A_378 = arith.xori %parallel_loop3A_375, %parallel_loop3A_377 : i1
        %parallel_loop3A_379 = arith.andi %parallel_loop3A_378, %parallel_loop3A_373 : i1
        %parallel_loop3A_380 = arith.addi %parallel_loop3A_371, %parallel_loop3A_370 : i32
        %parallel_loop3A_381 = arith.select %parallel_loop3A_379, %parallel_loop3A_380, %parallel_loop3A_371 : i32
        %parallel_loop3A_382 = arith.constant 16 : i32
        %parallel_loop3A_383 = arith.muli %parallel_loop3A_381, %parallel_loop3A_382 : i32
        %parallel_loop3A_384 = arith.index_cast %parallel_loop3A_365 : i32 to index
        %parallel_loop3A_385 = arith.index_cast %parallel_loop3A_383 : i32 to index
        %parallel_loop3A_386 = tpu.vector_load %arg9[%parallel_loop3A_384, %parallel_loop3A_385] {strides = array<i32>} : memref<16x1024xf32, #tpu.memory_space<vmem>>, vector<1x16xf32>,
        %parallel_loop3A_387 = vector.shape_cast %parallel_loop3A_386 : vector<1x16xf32> to vector<16xf32>
        %parallel_loop3A_388 = arith.index_cast %parallel_loop3A_365 : i32 to index
        %parallel_loop3A_389 = arith.index_cast %parallel_loop3A_383 : i32 to index
        %parallel_loop3A_390 = tpu.vector_load %arg7[%parallel_loop3A_388, %parallel_loop3A_389] {strides = array<i32>} : memref<16x1024xf32, #tpu.memory_space<vmem>>, vector<1x16xf32>,
        %parallel_loop3A_391 = vector.shape_cast %parallel_loop3A_390 : vector<1x16xf32> to vector<16xf32>
        %parallel_loop3A_392 = vector.shape_cast %parallel_loop3A_387 : vector<16xf32> to vector<1x16xf32>
        tpu.vector_store %arg7[%parallel_loop3A_388, %parallel_loop3A_389], %parallel_loop3A_392 {add = true, strides = array<i32>} : memref<16x1024xf32, #tpu.memory_space<vmem>>, vector<1x16xf32>,
      } {sc.loop_unroll_factor = 8 : i64, sc.parallel_access}
      %add3A_158 = arith.constant 16384 : i32
      %add3A_159 = arith.addi %add3A_158, %mul3A_2 : i32
      %mul3A_160 = arith.constant 16 : i32
      %mul3A_161 = arith.muli %add3A_57, %mul3A_160 : i32
      %add3A_162 = arith.addi %add3A_159, %mul3A_161 : i32
      %dma_start3A_163 = arith.constant 0 : i32
      %dma_start3A_164 = tpu.memref_slice %arg4[%add3A_162, %dma_start3A_163] : memref<32768x1024xf32, #tpu.memory_space<hbm>> -> memref<16x1024xf32, #tpu.memory_space<hbm>>
      %dma_start3A_165 = arith.constant 0 : i32
      %dma_start3A_166 = tpu.memref_slice %arg4[%add3A_162, %dma_start3A_165] : memref<32768x1024xf32, #tpu.memory_space<hbm>> -> memref<16x1024xf32, #tpu.memory_space<hbm>>
      tpu.enqueue_dma source(%arg7 : memref<16x1024xf32, #tpu.memory_space<vmem>>) target(%dma_start3A_166 : memref<16x1024xf32, #tpu.memory_space<hbm>>) target_semaphore(%arg17 : memref<!tpu.dma_semaphore, #tpu.memory_space<semaphore_mem>>)
      %mul3A_167 = arith.constant 4 : i32
      %mul3A_168 = arith.muli %add3A_57, %mul3A_167 : i32
      %add3A_169 = arith.constant 3 : i32
      %add3A_170 = arith.addi %mul3A_168, %add3A_169 : i32
      %dma_wait3A_171 = arith.constant 0 : i32
      %dma_wait3A_172 = arith.constant 0 : i32
      %dma_wait3A_173 = tpu.memref_slice %arg2[%dma_wait3A_171, %dma_wait3A_172] : memref<32768x1024xf32, #tpu.memory_space<hbm>> -> memref<16x1024xf32, #tpu.memory_space<hbm>>
      %dma_wait3A_174 = arith.constant 0 : i32
      %dma_wait3A_175 = arith.constant 0 : i32
      %dma_wait3A_176 = tpu.memref_slice %arg2[%dma_wait3A_174, %dma_wait3A_175] : memref<32768x1024xf32, #tpu.memory_space<hbm>> -> memref<16x1024xf32, #tpu.memory_space<hbm>>
      tpu.wait_dma2 semaphore(%arg14 : memref<!tpu.dma_semaphore, #tpu.memory_space<semaphore_mem>>) src(%dma_wait3A_176 : memref<16x1024xf32, #tpu.memory_space<hbm>>) dst(%arg8 : memref<16x1024xf32, #tpu.memory_space<vmem>>)
      %add3A_177 = arith.constant 1 : i32
      %add3A_178 = arith.addi %add3A_57, %add3A_177 : i32
      %lt3A_179 = arith.constant 16 : i32
      %lt3A_180 = arith.cmpi slt, %add3A_178, %lt3A_179 : i32
      %convert_element_type3A_181 = arith.extui %lt3A_180 : i1 to i32
      %cond3A_182 = arith.constant 0 : i32
      %cond3A_183 = arith.cmpi ne, %convert_element_type3A_181, %cond3A_182 : i32
      scf.if %cond3A_183 {
        %dma_wait3A_341 = arith.constant 0 : i32
        %dma_wait3A_342 = arith.constant 0 : i32
        %dma_wait3A_343 = tpu.memref_slice %arg4[%dma_wait3A_341, %dma_wait3A_342] : memref<32768x1024xf32, #tpu.memory_space<hbm>> -> memref<16x1024xf32, #tpu.memory_space<hbm>>
        %dma_wait3A_344 = arith.constant 0 : i32
        %dma_wait3A_345 = arith.constant 0 : i32
        %dma_wait3A_346 = tpu.memref_slice %arg4[%dma_wait3A_344, %dma_wait3A_345] : memref<32768x1024xf32, #tpu.memory_space<hbm>> -> memref<16x1024xf32, #tpu.memory_space<hbm>>
        tpu.wait_dma2 semaphore(%arg16 : memref<!tpu.dma_semaphore, #tpu.memory_space<semaphore_mem>>) src(%arg6 : memref<16x1024xf32, #tpu.memory_space<vmem>>) dst(%dma_wait3A_346 : memref<16x1024xf32, #tpu.memory_space<hbm>>)
        %add3A_347 = arith.constant 1 : i32
        %add3A_348 = arith.addi %add3A_57, %add3A_347 : i32
        %add3A_349 = arith.constant 8192 : i32
        %add3A_350 = arith.addi %add3A_349, %mul3A_2 : i32
        %mul3A_351 = arith.constant 16 : i32
        %mul3A_352 = arith.muli %add3A_348, %mul3A_351 : i32
        %add3A_353 = arith.addi %add3A_350, %mul3A_352 : i32
        %dma_start3A_354 = arith.constant 0 : i32
        %dma_start3A_355 = tpu.memref_slice %arg2[%add3A_353, %dma_start3A_354] : memref<32768x1024xf32, #tpu.memory_space<hbm>> -> memref<16x1024xf32, #tpu.memory_space<hbm>>
        %dma_start3A_356 = arith.constant 0 : i32
        %dma_start3A_357 = tpu.memref_slice %arg2[%add3A_353, %dma_start3A_356] : memref<32768x1024xf32, #tpu.memory_space<hbm>> -> memref<16x1024xf32, #tpu.memory_space<hbm>>
        tpu.enqueue_dma source(%dma_start3A_357 : memref<16x1024xf32, #tpu.memory_space<hbm>>) target(%arg6 : memref<16x1024xf32, #tpu.memory_space<vmem>>) target_semaphore(%arg12 : memref<!tpu.dma_semaphore, #tpu.memory_space<semaphore_mem>>)
      } else {
      }
      %parallel_loop3A_184 = arith.constant 0 : i32
      %parallel_loop3A_185 = arith.constant 1024 : i32
      %parallel_loop3A_186 = arith.constant 1 : i32
      scf.for %parallel_loop3A_341 = %parallel_loop3A_184 to %parallel_loop3A_185 step %parallel_loop3A_186  : i32 {
        %parallel_loop3A_342 = arith.constant 64 : i32
        %parallel_loop3A_343 = arith.divsi %parallel_loop3A_341, %parallel_loop3A_342 : i32
        %parallel_loop3A_344 = arith.constant 0 : i32
        %parallel_loop3A_345 = arith.cmpi sgt, %parallel_loop3A_341, %parallel_loop3A_344 : i32
        %parallel_loop3A_346 = arith.extui %parallel_loop3A_345 : i1 to i32
        %parallel_loop3A_347 = arith.constant 0 : i32
        %parallel_loop3A_348 = arith.cmpi slt, %parallel_loop3A_341, %parallel_loop3A_347 : i32
        %parallel_loop3A_349 = arith.extui %parallel_loop3A_348 : i1 to i32
        %parallel_loop3A_350 = arith.subi %parallel_loop3A_346, %parallel_loop3A_349 : i32
        %parallel_loop3A_351 = arith.constant 0 : i32
        %parallel_loop3A_352 = arith.cmpi sgt, %parallel_loop3A_342, %parallel_loop3A_351 : i32
        %parallel_loop3A_353 = arith.extui %parallel_loop3A_352 : i1 to i32
        %parallel_loop3A_354 = arith.constant 0 : i32
        %parallel_loop3A_355 = arith.cmpi slt, %parallel_loop3A_342, %parallel_loop3A_354 : i32
        %parallel_loop3A_356 = arith.extui %parallel_loop3A_355 : i1 to i32
        %parallel_loop3A_357 = arith.subi %parallel_loop3A_353, %parallel_loop3A_356 : i32
        %parallel_loop3A_358 = arith.cmpi ne, %parallel_loop3A_350, %parallel_loop3A_357 : i32
        %parallel_loop3A_359 = arith.remsi %parallel_loop3A_341, %parallel_loop3A_342 : i32
        %parallel_loop3A_360 = arith.constant 0 : i32
        %parallel_loop3A_361 = arith.cmpi ne, %parallel_loop3A_359, %parallel_loop3A_360 : i32
        %parallel_loop3A_362 = arith.andi %parallel_loop3A_358, %parallel_loop3A_361 : i1
        %parallel_loop3A_363 = arith.constant 1 : i32
        %parallel_loop3A_364 = arith.subi %parallel_loop3A_343, %parallel_loop3A_363 : i32
        %parallel_loop3A_365 = arith.select %parallel_loop3A_362, %parallel_loop3A_364, %parallel_loop3A_343 : i32
        %parallel_loop3A_366 = arith.constant 64 : i32
        %parallel_loop3A_367 = arith.constant 0 : i32
        %parallel_loop3A_368 = arith.cmpi eq, %parallel_loop3A_366, %parallel_loop3A_367 : i32
        %parallel_loop3A_369 = arith.constant 1 : i32
        %parallel_loop3A_370 = arith.select %parallel_loop3A_368, %parallel_loop3A_369, %parallel_loop3A_366 : i32
        %parallel_loop3A_371 = arith.remsi %parallel_loop3A_341, %parallel_loop3A_370 : i32
        %parallel_loop3A_372 = arith.constant 0 : i32
        %parallel_loop3A_373 = arith.cmpi ne, %parallel_loop3A_371, %parallel_loop3A_372 : i32
        %parallel_loop3A_374 = arith.constant 0 : i32
        %parallel_loop3A_375 = arith.cmpi slt, %parallel_loop3A_371, %parallel_loop3A_374 : i32
        %parallel_loop3A_376 = arith.constant 0 : i32
        %parallel_loop3A_377 = arith.cmpi slt, %parallel_loop3A_370, %parallel_loop3A_376 : i32
        %parallel_loop3A_378 = arith.xori %parallel_loop3A_375, %parallel_loop3A_377 : i1
        %parallel_loop3A_379 = arith.andi %parallel_loop3A_378, %parallel_loop3A_373 : i1
        %parallel_loop3A_380 = arith.addi %parallel_loop3A_371, %parallel_loop3A_370 : i32
        %parallel_loop3A_381 = arith.select %parallel_loop3A_379, %parallel_loop3A_380, %parallel_loop3A_371 : i32
        %parallel_loop3A_382 = arith.constant 16 : i32
        %parallel_loop3A_383 = arith.muli %parallel_loop3A_381, %parallel_loop3A_382 : i32
        %parallel_loop3A_384 = arith.index_cast %parallel_loop3A_365 : i32 to index
        %parallel_loop3A_385 = arith.index_cast %parallel_loop3A_383 : i32 to index
        %parallel_loop3A_386 = tpu.vector_load %arg9[%parallel_loop3A_384, %parallel_loop3A_385] {strides = array<i32>} : memref<16x1024xf32, #tpu.memory_space<vmem>>, vector<1x16xf32>,
        %parallel_loop3A_387 = vector.shape_cast %parallel_loop3A_386 : vector<1x16xf32> to vector<16xf32>
        %parallel_loop3A_388 = arith.index_cast %parallel_loop3A_365 : i32 to index
        %parallel_loop3A_389 = arith.index_cast %parallel_loop3A_383 : i32 to index
        %parallel_loop3A_390 = tpu.vector_load %arg8[%parallel_loop3A_388, %parallel_loop3A_389] {strides = array<i32>} : memref<16x1024xf32, #tpu.memory_space<vmem>>, vector<1x16xf32>,
        %parallel_loop3A_391 = vector.shape_cast %parallel_loop3A_390 : vector<1x16xf32> to vector<16xf32>
        %parallel_loop3A_392 = vector.shape_cast %parallel_loop3A_387 : vector<16xf32> to vector<1x16xf32>
        tpu.vector_store %arg8[%parallel_loop3A_388, %parallel_loop3A_389], %parallel_loop3A_392 {add = true, strides = array<i32>} : memref<16x1024xf32, #tpu.memory_space<vmem>>, vector<1x16xf32>,
      } {sc.loop_unroll_factor = 8 : i64, sc.parallel_access}
      %add3A_187 = arith.constant 24576 : i32
      %add3A_188 = arith.addi %add3A_187, %mul3A_2 : i32
      %mul3A_189 = arith.constant 16 : i32
      %mul3A_190 = arith.muli %add3A_57, %mul3A_189 : i32
      %add3A_191 = arith.addi %add3A_188, %mul3A_190 : i32
      %dma_start3A_192 = arith.constant 0 : i32
      %dma_start3A_193 = tpu.memref_slice %arg4[%add3A_191, %dma_start3A_192] : memref<32768x1024xf32, #tpu.memory_space<hbm>> -> memref<16x1024xf32, #tpu.memory_space<hbm>>
      %dma_start3A_194 = arith.constant 0 : i32
      %dma_start3A_195 = tpu.memref_slice %arg4[%add3A_191, %dma_start3A_194] : memref<32768x1024xf32, #tpu.memory_space<hbm>> -> memref<16x1024xf32, #tpu.memory_space<hbm>>
      tpu.enqueue_dma source(%arg8 : memref<16x1024xf32, #tpu.memory_space<vmem>>) target(%dma_start3A_195 : memref<16x1024xf32, #tpu.memory_space<hbm>>) target_semaphore(%arg18 : memref<!tpu.dma_semaphore, #tpu.memory_space<semaphore_mem>>)
      %add3A_196 = arith.constant 1 : i32
      %add3A_197 = arith.addi %add3A_55, %add3A_196 : i32
      %dma_wait3A_198 = arith.constant 0 : i32
      %dma_wait3A_199 = arith.constant 0 : i32
      %dma_wait3A_200 = tpu.memref_slice %arg3[%dma_wait3A_198, %dma_wait3A_199] : memref<8192x1024xf32, #tpu.memory_space<hbm>> -> memref<16x1024xf32, #tpu.memory_space<hbm>>
      %dma_wait3A_201 = arith.constant 0 : i32
      %dma_wait3A_202 = arith.constant 0 : i32
      %dma_wait3A_203 = tpu.memref_slice %arg3[%dma_wait3A_201, %dma_wait3A_202] : memref<8192x1024xf32, #tpu.memory_space<hbm>> -> memref<16x1024xf32, #tpu.memory_space<hbm>>
      tpu.wait_dma2 semaphore(%arg20 : memref<!tpu.dma_semaphore, #tpu.memory_space<semaphore_mem>>) src(%dma_wait3A_203 : memref<16x1024xf32, #tpu.memory_space<hbm>>) dst(%arg10 : memref<16x1024xf32, #tpu.memory_space<vmem>>)
      %add3A_204 = arith.constant 1 : i32
      %add3A_205 = arith.addi %add3A_197, %add3A_204 : i32
      %lt3A_206 = arith.constant 16 : i32
      %lt3A_207 = arith.cmpi slt, %add3A_205, %lt3A_206 : i32
      %convert_element_type3A_208 = arith.extui %lt3A_207 : i1 to i32
      %cond3A_209 = arith.constant 0 : i32
      %cond3A_210 = arith.cmpi ne, %convert_element_type3A_208, %cond3A_209 : i32
      scf.if %cond3A_210 {
        %add3A_341 = arith.constant 1 : i32
        %add3A_342 = arith.addi %add3A_197, %add3A_341 : i32
        %mul3A_343 = arith.constant 16 : i32
        %mul3A_344 = arith.muli %add3A_342, %mul3A_343 : i32
        %add3A_345 = arith.addi %mul3A_2, %mul3A_344 : i32
        %dma_start3A_346 = arith.constant 0 : i32
        %dma_start3A_347 = tpu.memref_slice %arg3[%add3A_345, %dma_start3A_346] : memref<8192x1024xf32, #tpu.memory_space<hbm>> -> memref<16x1024xf32, #tpu.memory_space<hbm>>
        %dma_start3A_348 = arith.constant 0 : i32
        %dma_start3A_349 = tpu.memref_slice %arg3[%add3A_345, %dma_start3A_348] : memref<8192x1024xf32, #tpu.memory_space<hbm>> -> memref<16x1024xf32, #tpu.memory_space<hbm>>
        tpu.enqueue_dma source(%dma_start3A_349 : memref<16x1024xf32, #tpu.memory_space<hbm>>) target(%arg9 : memref<16x1024xf32, #tpu.memory_space<vmem>>) target_semaphore(%arg19 : memref<!tpu.dma_semaphore, #tpu.memory_space<semaphore_mem>>)
      } else {
      }
      %mul3A_211 = arith.constant 4 : i32
      %mul3A_212 = arith.muli %add3A_197, %mul3A_211 : i32
      %add3A_213 = arith.constant 0 : i32
      %add3A_214 = arith.addi %mul3A_212, %add3A_213 : i32
      %dma_wait3A_215 = arith.constant 0 : i32
      %dma_wait3A_216 = arith.constant 0 : i32
      %dma_wait3A_217 = tpu.memref_slice %arg2[%dma_wait3A_215, %dma_wait3A_216] : memref<32768x1024xf32, #tpu.memory_space<hbm>> -> memref<16x1024xf32, #tpu.memory_space<hbm>>
      %dma_wait3A_218 = arith.constant 0 : i32
      %dma_wait3A_219 = arith.constant 0 : i32
      %dma_wait3A_220 = tpu.memref_slice %arg2[%dma_wait3A_218, %dma_wait3A_219] : memref<32768x1024xf32, #tpu.memory_space<hbm>> -> memref<16x1024xf32, #tpu.memory_space<hbm>>
      tpu.wait_dma2 semaphore(%arg11 : memref<!tpu.dma_semaphore, #tpu.memory_space<semaphore_mem>>) src(%dma_wait3A_220 : memref<16x1024xf32, #tpu.memory_space<hbm>>) dst(%arg5 : memref<16x1024xf32, #tpu.memory_space<vmem>>)
      %ge3A_221 = arith.constant 2 : i32
      %ge3A_222 = arith.cmpi sge, %add3A_214, %ge3A_221 : i32
      %convert_element_type3A_223 = arith.extui %ge3A_222 : i1 to i32
      %cond3A_224 = arith.constant 0 : i32
      %cond3A_225 = arith.cmpi ne, %convert_element_type3A_223, %cond3A_224 : i32
      scf.if %cond3A_225 {
        %dma_wait3A_341 = arith.constant 0 : i32
        %dma_wait3A_342 = arith.constant 0 : i32
        %dma_wait3A_343 = tpu.memref_slice %arg4[%dma_wait3A_341, %dma_wait3A_342] : memref<32768x1024xf32, #tpu.memory_space<hbm>> -> memref<16x1024xf32, #tpu.memory_space<hbm>>
        %dma_wait3A_344 = arith.constant 0 : i32
        %dma_wait3A_345 = arith.constant 0 : i32
        %dma_wait3A_346 = tpu.memref_slice %arg4[%dma_wait3A_344, %dma_wait3A_345] : memref<32768x1024xf32, #tpu.memory_space<hbm>> -> memref<16x1024xf32, #tpu.memory_space<hbm>>
        tpu.wait_dma2 semaphore(%arg17 : memref<!tpu.dma_semaphore, #tpu.memory_space<semaphore_mem>>) src(%arg7 : memref<16x1024xf32, #tpu.memory_space<vmem>>) dst(%dma_wait3A_346 : memref<16x1024xf32, #tpu.memory_space<hbm>>)
      } else {
      }
      %add3A_226 = arith.constant 16384 : i32
      %add3A_227 = arith.addi %add3A_226, %mul3A_2 : i32
      %mul3A_228 = arith.constant 16 : i32
      %mul3A_229 = arith.muli %add3A_197, %mul3A_228 : i32
      %add3A_230 = arith.addi %add3A_227, %mul3A_229 : i32
      %dma_start3A_231 = arith.constant 0 : i32
      %dma_start3A_232 = tpu.memref_slice %arg2[%add3A_230, %dma_start3A_231] : memref<32768x1024xf32, #tpu.memory_space<hbm>> -> memref<16x1024xf32, #tpu.memory_space<hbm>>
      %dma_start3A_233 = arith.constant 0 : i32
      %dma_start3A_234 = tpu.memref_slice %arg2[%add3A_230, %dma_start3A_233] : memref<32768x1024xf32, #tpu.memory_space<hbm>> -> memref<16x1024xf32, #tpu.memory_space<hbm>>
      tpu.enqueue_dma source(%dma_start3A_234 : memref<16x1024xf32, #tpu.memory_space<hbm>>) target(%arg7 : memref<16x1024xf32, #tpu.memory_space<vmem>>) target_semaphore(%arg13 : memref<!tpu.dma_semaphore, #tpu.memory_space<semaphore_mem>>)
      %parallel_loop3A_235 = arith.constant 0 : i32
      %parallel_loop3A_236 = arith.constant 1024 : i32
      %parallel_loop3A_237 = arith.constant 1 : i32
      scf.for %parallel_loop3A_341 = %parallel_loop3A_235 to %parallel_loop3A_236 step %parallel_loop3A_237  : i32 {
        %parallel_loop3A_342 = arith.constant 64 : i32
        %parallel_loop3A_343 = arith.divsi %parallel_loop3A_341, %parallel_loop3A_342 : i32
        %parallel_loop3A_344 = arith.constant 0 : i32
        %parallel_loop3A_345 = arith.cmpi sgt, %parallel_loop3A_341, %parallel_loop3A_344 : i32
        %parallel_loop3A_346 = arith.extui %parallel_loop3A_345 : i1 to i32
        %parallel_loop3A_347 = arith.constant 0 : i32
        %parallel_loop3A_348 = arith.cmpi slt, %parallel_loop3A_341, %parallel_loop3A_347 : i32
        %parallel_loop3A_349 = arith.extui %parallel_loop3A_348 : i1 to i32
        %parallel_loop3A_350 = arith.subi %parallel_loop3A_346, %parallel_loop3A_349 : i32
        %parallel_loop3A_351 = arith.constant 0 : i32
        %parallel_loop3A_352 = arith.cmpi sgt, %parallel_loop3A_342, %parallel_loop3A_351 : i32
        %parallel_loop3A_353 = arith.extui %parallel_loop3A_352 : i1 to i32
        %parallel_loop3A_354 = arith.constant 0 : i32
        %parallel_loop3A_355 = arith.cmpi slt, %parallel_loop3A_342, %parallel_loop3A_354 : i32
        %parallel_loop3A_356 = arith.extui %parallel_loop3A_355 : i1 to i32
        %parallel_loop3A_357 = arith.subi %parallel_loop3A_353, %parallel_loop3A_356 : i32
        %parallel_loop3A_358 = arith.cmpi ne, %parallel_loop3A_350, %parallel_loop3A_357 : i32
        %parallel_loop3A_359 = arith.remsi %parallel_loop3A_341, %parallel_loop3A_342 : i32
        %parallel_loop3A_360 = arith.constant 0 : i32
        %parallel_loop3A_361 = arith.cmpi ne, %parallel_loop3A_359, %parallel_loop3A_360 : i32
        %parallel_loop3A_362 = arith.andi %parallel_loop3A_358, %parallel_loop3A_361 : i1
        %parallel_loop3A_363 = arith.constant 1 : i32
        %parallel_loop3A_364 = arith.subi %parallel_loop3A_343, %parallel_loop3A_363 : i32
        %parallel_loop3A_365 = arith.select %parallel_loop3A_362, %parallel_loop3A_364, %parallel_loop3A_343 : i32
        %parallel_loop3A_366 = arith.constant 64 : i32
        %parallel_loop3A_367 = arith.constant 0 : i32
        %parallel_loop3A_368 = arith.cmpi eq, %parallel_loop3A_366, %parallel_loop3A_367 : i32
        %parallel_loop3A_369 = arith.constant 1 : i32
        %parallel_loop3A_370 = arith.select %parallel_loop3A_368, %parallel_loop3A_369, %parallel_loop3A_366 : i32
        %parallel_loop3A_371 = arith.remsi %parallel_loop3A_341, %parallel_loop3A_370 : i32
        %parallel_loop3A_372 = arith.constant 0 : i32
        %parallel_loop3A_373 = arith.cmpi ne, %parallel_loop3A_371, %parallel_loop3A_372 : i32
        %parallel_loop3A_374 = arith.constant 0 : i32
        %parallel_loop3A_375 = arith.cmpi slt, %parallel_loop3A_371, %parallel_loop3A_374 : i32
        %parallel_loop3A_376 = arith.constant 0 : i32
        %parallel_loop3A_377 = arith.cmpi slt, %parallel_loop3A_370, %parallel_loop3A_376 : i32
        %parallel_loop3A_378 = arith.xori %parallel_loop3A_375, %parallel_loop3A_377 : i1
        %parallel_loop3A_379 = arith.andi %parallel_loop3A_378, %parallel_loop3A_373 : i1
        %parallel_loop3A_380 = arith.addi %parallel_loop3A_371, %parallel_loop3A_370 : i32
        %parallel_loop3A_381 = arith.select %parallel_loop3A_379, %parallel_loop3A_380, %parallel_loop3A_371 : i32
        %parallel_loop3A_382 = arith.constant 16 : i32
        %parallel_loop3A_383 = arith.muli %parallel_loop3A_381, %parallel_loop3A_382 : i32
        %parallel_loop3A_384 = arith.index_cast %parallel_loop3A_365 : i32 to index
        %parallel_loop3A_385 = arith.index_cast %parallel_loop3A_383 : i32 to index
        %parallel_loop3A_386 = tpu.vector_load %arg10[%parallel_loop3A_384, %parallel_loop3A_385] {strides = array<i32>} : memref<16x1024xf32, #tpu.memory_space<vmem>>, vector<1x16xf32>,
        %parallel_loop3A_387 = vector.shape_cast %parallel_loop3A_386 : vector<1x16xf32> to vector<16xf32>
        %parallel_loop3A_388 = arith.index_cast %parallel_loop3A_365 : i32 to index
        %parallel_loop3A_389 = arith.index_cast %parallel_loop3A_383 : i32 to index
        %parallel_loop3A_390 = tpu.vector_load %arg5[%parallel_loop3A_388, %parallel_loop3A_389] {strides = array<i32>} : memref<16x1024xf32, #tpu.memory_space<vmem>>, vector<1x16xf32>,
        %parallel_loop3A_391 = vector.shape_cast %parallel_loop3A_390 : vector<1x16xf32> to vector<16xf32>
        %parallel_loop3A_392 = vector.shape_cast %parallel_loop3A_387 : vector<16xf32> to vector<1x16xf32>
        tpu.vector_store %arg5[%parallel_loop3A_388, %parallel_loop3A_389], %parallel_loop3A_392 {add = true, strides = array<i32>} : memref<16x1024xf32, #tpu.memory_space<vmem>>, vector<1x16xf32>,
      } {sc.loop_unroll_factor = 8 : i64, sc.parallel_access}
      %add3A_238 = arith.constant 0 : i32
      %add3A_239 = arith.addi %add3A_238, %mul3A_2 : i32
      %mul3A_240 = arith.constant 16 : i32
      %mul3A_241 = arith.muli %add3A_197, %mul3A_240 : i32
      %add3A_242 = arith.addi %add3A_239, %mul3A_241 : i32
      %dma_start3A_243 = arith.constant 0 : i32
      %dma_start3A_244 = tpu.memref_slice %arg4[%add3A_242, %dma_start3A_243] : memref<32768x1024xf32, #tpu.memory_space<hbm>> -> memref<16x1024xf32, #tpu.memory_space<hbm>>
      %dma_start3A_245 = arith.constant 0 : i32
      %dma_start3A_246 = tpu.memref_slice %arg4[%add3A_242, %dma_start3A_245] : memref<32768x1024xf32, #tpu.memory_space<hbm>> -> memref<16x1024xf32, #tpu.memory_space<hbm>>
      tpu.enqueue_dma source(%arg5 : memref<16x1024xf32, #tpu.memory_space<vmem>>) target(%dma_start3A_246 : memref<16x1024xf32, #tpu.memory_space<hbm>>) target_semaphore(%arg15 : memref<!tpu.dma_semaphore, #tpu.memory_space<semaphore_mem>>)
      %mul3A_247 = arith.constant 4 : i32
      %mul3A_248 = arith.muli %add3A_197, %mul3A_247 : i32
      %add3A_249 = arith.constant 1 : i32
      %add3A_250 = arith.addi %mul3A_248, %add3A_249 : i32
      %dma_wait3A_251 = arith.constant 0 : i32
      %dma_wait3A_252 = arith.constant 0 : i32
      %dma_wait3A_253 = tpu.memref_slice %arg2[%dma_wait3A_251, %dma_wait3A_252] : memref<32768x1024xf32, #tpu.memory_space<hbm>> -> memref<16x1024xf32, #tpu.memory_space<hbm>>
      %dma_wait3A_254 = arith.constant 0 : i32
      %dma_wait3A_255 = arith.constant 0 : i32
      %dma_wait3A_256 = tpu.memref_slice %arg2[%dma_wait3A_254, %dma_wait3A_255] : memref<32768x1024xf32, #tpu.memory_space<hbm>> -> memref<16x1024xf32, #tpu.memory_space<hbm>>
      tpu.wait_dma2 semaphore(%arg12 : memref<!tpu.dma_semaphore, #tpu.memory_space<semaphore_mem>>) src(%dma_wait3A_256 : memref<16x1024xf32, #tpu.memory_space<hbm>>) dst(%arg6 : memref<16x1024xf32, #tpu.memory_space<vmem>>)
      %ge3A_257 = arith.constant 2 : i32
      %ge3A_258 = arith.cmpi sge, %add3A_250, %ge3A_257 : i32
      %convert_element_type3A_259 = arith.extui %ge3A_258 : i1 to i32
      %cond3A_260 = arith.constant 0 : i32
      %cond3A_261 = arith.cmpi ne, %convert_element_type3A_259, %cond3A_260 : i32
      scf.if %cond3A_261 {
        %dma_wait3A_341 = arith.constant 0 : i32
        %dma_wait3A_342 = arith.constant 0 : i32
        %dma_wait3A_343 = tpu.memref_slice %arg4[%dma_wait3A_341, %dma_wait3A_342] : memref<32768x1024xf32, #tpu.memory_space<hbm>> -> memref<16x1024xf32, #tpu.memory_space<hbm>>
        %dma_wait3A_344 = arith.constant 0 : i32
        %dma_wait3A_345 = arith.constant 0 : i32
        %dma_wait3A_346 = tpu.memref_slice %arg4[%dma_wait3A_344, %dma_wait3A_345] : memref<32768x1024xf32, #tpu.memory_space<hbm>> -> memref<16x1024xf32, #tpu.memory_space<hbm>>
        tpu.wait_dma2 semaphore(%arg18 : memref<!tpu.dma_semaphore, #tpu.memory_space<semaphore_mem>>) src(%arg8 : memref<16x1024xf32, #tpu.memory_space<vmem>>) dst(%dma_wait3A_346 : memref<16x1024xf32, #tpu.memory_space<hbm>>)
      } else {
      }
      %add3A_262 = arith.constant 24576 : i32
      %add3A_263 = arith.addi %add3A_262, %mul3A_2 : i32
      %mul3A_264 = arith.constant 16 : i32
      %mul3A_265 = arith.muli %add3A_197, %mul3A_264 : i32
      %add3A_266 = arith.addi %add3A_263, %mul3A_265 : i32
      %dma_start3A_267 = arith.constant 0 : i32
      %dma_start3A_268 = tpu.memref_slice %arg2[%add3A_266, %dma_start3A_267] : memref<32768x1024xf32, #tpu.memory_space<hbm>> -> memref<16x1024xf32, #tpu.memory_space<hbm>>
      %dma_start3A_269 = arith.constant 0 : i32
      %dma_start3A_270 = tpu.memref_slice %arg2[%add3A_266, %dma_start3A_269] : memref<32768x1024xf32, #tpu.memory_space<hbm>> -> memref<16x1024xf32, #tpu.memory_space<hbm>>
      tpu.enqueue_dma source(%dma_start3A_270 : memref<16x1024xf32, #tpu.memory_space<hbm>>) target(%arg8 : memref<16x1024xf32, #tpu.memory_space<vmem>>) target_semaphore(%arg14 : memref<!tpu.dma_semaphore, #tpu.memory_space<semaphore_mem>>)
      %parallel_loop3A_271 = arith.constant 0 : i32
      %parallel_loop3A_272 = arith.constant 1024 : i32
      %parallel_loop3A_273 = arith.constant 1 : i32
      scf.for %parallel_loop3A_341 = %parallel_loop3A_271 to %parallel_loop3A_272 step %parallel_loop3A_273  : i32 {
        %parallel_loop3A_342 = arith.constant 64 : i32
        %parallel_loop3A_343 = arith.divsi %parallel_loop3A_341, %parallel_loop3A_342 : i32
        %parallel_loop3A_344 = arith.constant 0 : i32
        %parallel_loop3A_345 = arith.cmpi sgt, %parallel_loop3A_341, %parallel_loop3A_344 : i32
        %parallel_loop3A_346 = arith.extui %parallel_loop3A_345 : i1 to i32
        %parallel_loop3A_347 = arith.constant 0 : i32
        %parallel_loop3A_348 = arith.cmpi slt, %parallel_loop3A_341, %parallel_loop3A_347 : i32
        %parallel_loop3A_349 = arith.extui %parallel_loop3A_348 : i1 to i32
        %parallel_loop3A_350 = arith.subi %parallel_loop3A_346, %parallel_loop3A_349 : i32
        %parallel_loop3A_351 = arith.constant 0 : i32
        %parallel_loop3A_352 = arith.cmpi sgt, %parallel_loop3A_342, %parallel_loop3A_351 : i32
        %parallel_loop3A_353 = arith.extui %parallel_loop3A_352 : i1 to i32
        %parallel_loop3A_354 = arith.constant 0 : i32
        %parallel_loop3A_355 = arith.cmpi slt, %parallel_loop3A_342, %parallel_loop3A_354 : i32
        %parallel_loop3A_356 = arith.extui %parallel_loop3A_355 : i1 to i32
        %parallel_loop3A_357 = arith.subi %parallel_loop3A_353, %parallel_loop3A_356 : i32
        %parallel_loop3A_358 = arith.cmpi ne, %parallel_loop3A_350, %parallel_loop3A_357 : i32
        %parallel_loop3A_359 = arith.remsi %parallel_loop3A_341, %parallel_loop3A_342 : i32
        %parallel_loop3A_360 = arith.constant 0 : i32
        %parallel_loop3A_361 = arith.cmpi ne, %parallel_loop3A_359, %parallel_loop3A_360 : i32
        %parallel_loop3A_362 = arith.andi %parallel_loop3A_358, %parallel_loop3A_361 : i1
        %parallel_loop3A_363 = arith.constant 1 : i32
        %parallel_loop3A_364 = arith.subi %parallel_loop3A_343, %parallel_loop3A_363 : i32
        %parallel_loop3A_365 = arith.select %parallel_loop3A_362, %parallel_loop3A_364, %parallel_loop3A_343 : i32
        %parallel_loop3A_366 = arith.constant 64 : i32
        %parallel_loop3A_367 = arith.constant 0 : i32
        %parallel_loop3A_368 = arith.cmpi eq, %parallel_loop3A_366, %parallel_loop3A_367 : i32
        %parallel_loop3A_369 = arith.constant 1 : i32
        %parallel_loop3A_370 = arith.select %parallel_loop3A_368, %parallel_loop3A_369, %parallel_loop3A_366 : i32
        %parallel_loop3A_371 = arith.remsi %parallel_loop3A_341, %parallel_loop3A_370 : i32
        %parallel_loop3A_372 = arith.constant 0 : i32
        %parallel_loop3A_373 = arith.cmpi ne, %parallel_loop3A_371, %parallel_loop3A_372 : i32
        %parallel_loop3A_374 = arith.constant 0 : i32
        %parallel_loop3A_375 = arith.cmpi slt, %parallel_loop3A_371, %parallel_loop3A_374 : i32
        %parallel_loop3A_376 = arith.constant 0 : i32
        %parallel_loop3A_377 = arith.cmpi slt, %parallel_loop3A_370, %parallel_loop3A_376 : i32
        %parallel_loop3A_378 = arith.xori %parallel_loop3A_375, %parallel_loop3A_377 : i1
        %parallel_loop3A_379 = arith.andi %parallel_loop3A_378, %parallel_loop3A_373 : i1
        %parallel_loop3A_380 = arith.addi %parallel_loop3A_371, %parallel_loop3A_370 : i32
        %parallel_loop3A_381 = arith.select %parallel_loop3A_379, %parallel_loop3A_380, %parallel_loop3A_371 : i32
        %parallel_loop3A_382 = arith.constant 16 : i32
        %parallel_loop3A_383 = arith.muli %parallel_loop3A_381, %parallel_loop3A_382 : i32
        %parallel_loop3A_384 = arith.index_cast %parallel_loop3A_365 : i32 to index
        %parallel_loop3A_385 = arith.index_cast %parallel_loop3A_383 : i32 to index
        %parallel_loop3A_386 = tpu.vector_load %arg10[%parallel_loop3A_384, %parallel_loop3A_385] {strides = array<i32>} : memref<16x1024xf32, #tpu.memory_space<vmem>>, vector<1x16xf32>,
        %parallel_loop3A_387 = vector.shape_cast %parallel_loop3A_386 : vector<1x16xf32> to vector<16xf32>
        %parallel_loop3A_388 = arith.index_cast %parallel_loop3A_365 : i32 to index
        %parallel_loop3A_389 = arith.index_cast %parallel_loop3A_383 : i32 to index
        %parallel_loop3A_390 = tpu.vector_load %arg6[%parallel_loop3A_388, %parallel_loop3A_389] {strides = array<i32>} : memref<16x1024xf32, #tpu.memory_space<vmem>>, vector<1x16xf32>,
        %parallel_loop3A_391 = vector.shape_cast %parallel_loop3A_390 : vector<1x16xf32> to vector<16xf32>
        %parallel_loop3A_392 = vector.shape_cast %parallel_loop3A_387 : vector<16xf32> to vector<1x16xf32>
        tpu.vector_store %arg6[%parallel_loop3A_388, %parallel_loop3A_389], %parallel_loop3A_392 {add = true, strides = array<i32>} : memref<16x1024xf32, #tpu.memory_space<vmem>>, vector<1x16xf32>,
      } {sc.loop_unroll_factor = 8 : i64, sc.parallel_access}
      %add3A_274 = arith.constant 8192 : i32
      %add3A_275 = arith.addi %add3A_274, %mul3A_2 : i32
      %mul3A_276 = arith.constant 16 : i32
      %mul3A_277 = arith.muli %add3A_197, %mul3A_276 : i32
      %add3A_278 = arith.addi %add3A_275, %mul3A_277 : i32
      %dma_start3A_279 = arith.constant 0 : i32
      %dma_start3A_280 = tpu.memref_slice %arg4[%add3A_278, %dma_start3A_279] : memref<32768x1024xf32, #tpu.memory_space<hbm>> -> memref<16x1024xf32, #tpu.memory_space<hbm>>
      %dma_start3A_281 = arith.constant 0 : i32
      %dma_start3A_282 = tpu.memref_slice %arg4[%add3A_278, %dma_start3A_281] : memref<32768x1024xf32, #tpu.memory_space<hbm>> -> memref<16x1024xf32, #tpu.memory_space<hbm>>
      tpu.enqueue_dma source(%arg6 : memref<16x1024xf32, #tpu.memory_space<vmem>>) target(%dma_start3A_282 : memref<16x1024xf32, #tpu.memory_space<hbm>>) target_semaphore(%arg16 : memref<!tpu.dma_semaphore, #tpu.memory_space<semaphore_mem>>)
      %mul3A_283 = arith.constant 4 : i32
      %mul3A_284 = arith.muli %add3A_197, %mul3A_283 : i32
      %add3A_285 = arith.constant 2 : i32
      %add3A_286 = arith.addi %mul3A_284, %add3A_285 : i32
      %dma_wait3A_287 = arith.constant 0 : i32
      %dma_wait3A_288 = arith.constant 0 : i32
      %dma_wait3A_289 = tpu.memref_slice %arg2[%dma_wait3A_287, %dma_wait3A_288] : memref<32768x1024xf32, #tpu.memory_space<hbm>> -> memref<16x1024xf32, #tpu.memory_space<hbm>>
      %dma_wait3A_290 = arith.constant 0 : i32
      %dma_wait3A_291 = arith.constant 0 : i32
      %dma_wait3A_292 = tpu.memref_slice %arg2[%dma_wait3A_290, %dma_wait3A_291] : memref<32768x1024xf32, #tpu.memory_space<hbm>> -> memref<16x1024xf32, #tpu.memory_space<hbm>>
      tpu.wait_dma2 semaphore(%arg13 : memref<!tpu.dma_semaphore, #tpu.memory_space<semaphore_mem>>) src(%dma_wait3A_292 : memref<16x1024xf32, #tpu.memory_space<hbm>>) dst(%arg7 : memref<16x1024xf32, #tpu.memory_space<vmem>>)
      %add3A_293 = arith.constant 1 : i32
      %add3A_294 = arith.addi %add3A_197, %add3A_293 : i32
      %lt3A_295 = arith.constant 16 : i32
      %lt3A_296 = arith.cmpi slt, %add3A_294, %lt3A_295 : i32
      %convert_element_type3A_297 = arith.extui %lt3A_296 : i1 to i32
      %cond3A_298 = arith.constant 0 : i32
      %cond3A_299 = arith.cmpi ne, %convert_element_type3A_297, %cond3A_298 : i32
      scf.if %cond3A_299 {
        %dma_wait3A_341 = arith.constant 0 : i32
        %dma_wait3A_342 = arith.constant 0 : i32
        %dma_wait3A_343 = tpu.memref_slice %arg4[%dma_wait3A_341, %dma_wait3A_342] : memref<32768x1024xf32, #tpu.memory_space<hbm>> -> memref<16x1024xf32, #tpu.memory_space<hbm>>
        %dma_wait3A_344 = arith.constant 0 : i32
        %dma_wait3A_345 = arith.constant 0 : i32
        %dma_wait3A_346 = tpu.memref_slice %arg4[%dma_wait3A_344, %dma_wait3A_345] : memref<32768x1024xf32, #tpu.memory_space<hbm>> -> memref<16x1024xf32, #tpu.memory_space<hbm>>
        tpu.wait_dma2 semaphore(%arg15 : memref<!tpu.dma_semaphore, #tpu.memory_space<semaphore_mem>>) src(%arg5 : memref<16x1024xf32, #tpu.memory_space<vmem>>) dst(%dma_wait3A_346 : memref<16x1024xf32, #tpu.memory_space<hbm>>)
        %add3A_347 = arith.constant 1 : i32
        %add3A_348 = arith.addi %add3A_197, %add3A_347 : i32
        %add3A_349 = arith.constant 0 : i32
        %add3A_350 = arith.addi %add3A_349, %mul3A_2 : i32
        %mul3A_351 = arith.constant 16 : i32
        %mul3A_352 = arith.muli %add3A_348, %mul3A_351 : i32
        %add3A_353 = arith.addi %add3A_350, %mul3A_352 : i32
        %dma_start3A_354 = arith.constant 0 : i32
        %dma_start3A_355 = tpu.memref_slice %arg2[%add3A_353, %dma_start3A_354] : memref<32768x1024xf32, #tpu.memory_space<hbm>> -> memref<16x1024xf32, #tpu.memory_space<hbm>>
        %dma_start3A_356 = arith.constant 0 : i32
        %dma_start3A_357 = tpu.memref_slice %arg2[%add3A_353, %dma_start3A_356] : memref<32768x1024xf32, #tpu.memory_space<hbm>> -> memref<16x1024xf32, #tpu.memory_space<hbm>>
        tpu.enqueue_dma source(%dma_start3A_357 : memref<16x1024xf32, #tpu.memory_space<hbm>>) target(%arg5 : memref<16x1024xf32, #tpu.memory_space<vmem>>) target_semaphore(%arg11 : memref<!tpu.dma_semaphore, #tpu.memory_space<semaphore_mem>>)
      } else {
      }
      %parallel_loop3A_300 = arith.constant 0 : i32
      %parallel_loop3A_301 = arith.constant 1024 : i32
      %parallel_loop3A_302 = arith.constant 1 : i32
      scf.for %parallel_loop3A_341 = %parallel_loop3A_300 to %parallel_loop3A_301 step %parallel_loop3A_302  : i32 {
        %parallel_loop3A_342 = arith.constant 64 : i32
        %parallel_loop3A_343 = arith.divsi %parallel_loop3A_341, %parallel_loop3A_342 : i32
        %parallel_loop3A_344 = arith.constant 0 : i32
        %parallel_loop3A_345 = arith.cmpi sgt, %parallel_loop3A_341, %parallel_loop3A_344 : i32
        %parallel_loop3A_346 = arith.extui %parallel_loop3A_345 : i1 to i32
        %parallel_loop3A_347 = arith.constant 0 : i32
        %parallel_loop3A_348 = arith.cmpi slt, %parallel_loop3A_341, %parallel_loop3A_347 : i32
        %parallel_loop3A_349 = arith.extui %parallel_loop3A_348 : i1 to i32
        %parallel_loop3A_350 = arith.subi %parallel_loop3A_346, %parallel_loop3A_349 : i32
        %parallel_loop3A_351 = arith.constant 0 : i32
        %parallel_loop3A_352 = arith.cmpi sgt, %parallel_loop3A_342, %parallel_loop3A_351 : i32
        %parallel_loop3A_353 = arith.extui %parallel_loop3A_352 : i1 to i32
        %parallel_loop3A_354 = arith.constant 0 : i32
        %parallel_loop3A_355 = arith.cmpi slt, %parallel_loop3A_342, %parallel_loop3A_354 : i32
        %parallel_loop3A_356 = arith.extui %parallel_loop3A_355 : i1 to i32
        %parallel_loop3A_357 = arith.subi %parallel_loop3A_353, %parallel_loop3A_356 : i32
        %parallel_loop3A_358 = arith.cmpi ne, %parallel_loop3A_350, %parallel_loop3A_357 : i32
        %parallel_loop3A_359 = arith.remsi %parallel_loop3A_341, %parallel_loop3A_342 : i32
        %parallel_loop3A_360 = arith.constant 0 : i32
        %parallel_loop3A_361 = arith.cmpi ne, %parallel_loop3A_359, %parallel_loop3A_360 : i32
        %parallel_loop3A_362 = arith.andi %parallel_loop3A_358, %parallel_loop3A_361 : i1
        %parallel_loop3A_363 = arith.constant 1 : i32
        %parallel_loop3A_364 = arith.subi %parallel_loop3A_343, %parallel_loop3A_363 : i32
        %parallel_loop3A_365 = arith.select %parallel_loop3A_362, %parallel_loop3A_364, %parallel_loop3A_343 : i32
        %parallel_loop3A_366 = arith.constant 64 : i32
        %parallel_loop3A_367 = arith.constant 0 : i32
        %parallel_loop3A_368 = arith.cmpi eq, %parallel_loop3A_366, %parallel_loop3A_367 : i32
        %parallel_loop3A_369 = arith.constant 1 : i32
        %parallel_loop3A_370 = arith.select %parallel_loop3A_368, %parallel_loop3A_369, %parallel_loop3A_366 : i32
        %parallel_loop3A_371 = arith.remsi %parallel_loop3A_341, %parallel_loop3A_370 : i32
        %parallel_loop3A_372 = arith.constant 0 : i32
        %parallel_loop3A_373 = arith.cmpi ne, %parallel_loop3A_371, %parallel_loop3A_372 : i32
        %parallel_loop3A_374 = arith.constant 0 : i32
        %parallel_loop3A_375 = arith.cmpi slt, %parallel_loop3A_371, %parallel_loop3A_374 : i32
        %parallel_loop3A_376 = arith.constant 0 : i32
        %parallel_loop3A_377 = arith.cmpi slt, %parallel_loop3A_370, %parallel_loop3A_376 : i32
        %parallel_loop3A_378 = arith.xori %parallel_loop3A_375, %parallel_loop3A_377 : i1
        %parallel_loop3A_379 = arith.andi %parallel_loop3A_378, %parallel_loop3A_373 : i1
        %parallel_loop3A_380 = arith.addi %parallel_loop3A_371, %parallel_loop3A_370 : i32
        %parallel_loop3A_381 = arith.select %parallel_loop3A_379, %parallel_loop3A_380, %parallel_loop3A_371 : i32
        %parallel_loop3A_382 = arith.constant 16 : i32
        %parallel_loop3A_383 = arith.muli %parallel_loop3A_381, %parallel_loop3A_382 : i32
        %parallel_loop3A_384 = arith.index_cast %parallel_loop3A_365 : i32 to index
        %parallel_loop3A_385 = arith.index_cast %parallel_loop3A_383 : i32 to index
        %parallel_loop3A_386 = tpu.vector_load %arg10[%parallel_loop3A_384, %parallel_loop3A_385] {strides = array<i32>} : memref<16x1024xf32, #tpu.memory_space<vmem>>, vector<1x16xf32>,
        %parallel_loop3A_387 = vector.shape_cast %parallel_loop3A_386 : vector<1x16xf32> to vector<16xf32>
        %parallel_loop3A_388 = arith.index_cast %parallel_loop3A_365 : i32 to index
        %parallel_loop3A_389 = arith.index_cast %parallel_loop3A_383 : i32 to index
        %parallel_loop3A_390 = tpu.vector_load %arg7[%parallel_loop3A_388, %parallel_loop3A_389] {strides = array<i32>} : memref<16x1024xf32, #tpu.memory_space<vmem>>, vector<1x16xf32>,
        %parallel_loop3A_391 = vector.shape_cast %parallel_loop3A_390 : vector<1x16xf32> to vector<16xf32>
        %parallel_loop3A_392 = vector.shape_cast %parallel_loop3A_387 : vector<16xf32> to vector<1x16xf32>
        tpu.vector_store %arg7[%parallel_loop3A_388, %parallel_loop3A_389], %parallel_loop3A_392 {add = true, strides = array<i32>} : memref<16x1024xf32, #tpu.memory_space<vmem>>, vector<1x16xf32>,
      } {sc.loop_unroll_factor = 8 : i64, sc.parallel_access}
      %add3A_303 = arith.constant 16384 : i32
      %add3A_304 = arith.addi %add3A_303, %mul3A_2 : i32
      %mul3A_305 = arith.constant 16 : i32
      %mul3A_306 = arith.muli %add3A_197, %mul3A_305 : i32
      %add3A_307 = arith.addi %add3A_304, %mul3A_306 : i32
      %dma_start3A_308 = arith.constant 0 : i32
      %dma_start3A_309 = tpu.memref_slice %arg4[%add3A_307, %dma_start3A_308] : memref<32768x1024xf32, #tpu.memory_space<hbm>> -> memref<16x1024xf32, #tpu.memory_space<hbm>>
      %dma_start3A_310 = arith.constant 0 : i32
      %dma_start3A_311 = tpu.memref_slice %arg4[%add3A_307, %dma_start3A_310] : memref<32768x1024xf32, #tpu.memory_space<hbm>> -> memref<16x1024xf32, #tpu.memory_space<hbm>>
      tpu.enqueue_dma source(%arg7 : memref<16x1024xf32, #tpu.memory_space<vmem>>) target(%dma_start3A_311 : memref<16x1024xf32, #tpu.memory_space<hbm>>) target_semaphore(%arg17 : memref<!tpu.dma_semaphore, #tpu.memory_space<semaphore_mem>>)
      %mul3A_312 = arith.constant 4 : i32
      %mul3A_313 = arith.muli %add3A_197, %mul3A_312 : i32
      %add3A_314 = arith.constant 3 : i32
      %add3A_315 = arith.addi %mul3A_313, %add3A_314 : i32
      %dma_wait3A_316 = arith.constant 0 : i32
      %dma_wait3A_317 = arith.constant 0 : i32
      %dma_wait3A_318 = tpu.memref_slice %arg2[%dma_wait3A_316, %dma_wait3A_317] : memref<32768x1024xf32, #tpu.memory_space<hbm>> -> memref<16x1024xf32, #tpu.memory_space<hbm>>
      %dma_wait3A_319 = arith.constant 0 : i32
      %dma_wait3A_320 = arith.constant 0 : i32
      %dma_wait3A_321 = tpu.memref_slice %arg2[%dma_wait3A_319, %dma_wait3A_320] : memref<32768x1024xf32, #tpu.memory_space<hbm>> -> memref<16x1024xf32, #tpu.memory_space<hbm>>
      tpu.wait_dma2 semaphore(%arg14 : memref<!tpu.dma_semaphore, #tpu.memory_space<semaphore_mem>>) src(%dma_wait3A_321 : memref<16x1024xf32, #tpu.memory_space<hbm>>) dst(%arg8 : memref<16x1024xf32, #tpu.memory_space<vmem>>)
      %add3A_322 = arith.constant 1 : i32
      %add3A_323 = arith.addi %add3A_197, %add3A_322 : i32
      %lt3A_324 = arith.constant 16 : i32
      %lt3A_325 = arith.cmpi slt, %add3A_323, %lt3A_324 : i32
      %convert_element_type3A_326 = arith.extui %lt3A_325 : i1 to i32
      %cond3A_327 = arith.constant 0 : i32
      %cond3A_328 = arith.cmpi ne, %convert_element_type3A_326, %cond3A_327 : i32
      scf.if %cond3A_328 {
        %dma_wait3A_341 = arith.constant 0 : i32
        %dma_wait3A_342 = arith.constant 0 : i32
        %dma_wait3A_343 = tpu.memref_slice %arg4[%dma_wait3A_341, %dma_wait3A_342] : memref<32768x1024xf32, #tpu.memory_space<hbm>> -> memref<16x1024xf32, #tpu.memory_space<hbm>>
        %dma_wait3A_344 = arith.constant 0 : i32
        %dma_wait3A_345 = arith.constant 0 : i32
        %dma_wait3A_346 = tpu.memref_slice %arg4[%dma_wait3A_344, %dma_wait3A_345] : memref<32768x1024xf32, #tpu.memory_space<hbm>> -> memref<16x1024xf32, #tpu.memory_space<hbm>>
        tpu.wait_dma2 semaphore(%arg16 : memref<!tpu.dma_semaphore, #tpu.memory_space<semaphore_mem>>) src(%arg6 : memref<16x1024xf32, #tpu.memory_space<vmem>>) dst(%dma_wait3A_346 : memref<16x1024xf32, #tpu.memory_space<hbm>>)
        %add3A_347 = arith.constant 1 : i32
        %add3A_348 = arith.addi %add3A_197, %add3A_347 : i32
        %add3A_349 = arith.constant 8192 : i32
        %add3A_350 = arith.addi %add3A_349, %mul3A_2 : i32
        %mul3A_351 = arith.constant 16 : i32
        %mul3A_352 = arith.muli %add3A_348, %mul3A_351 : i32
        %add3A_353 = arith.addi %add3A_350, %mul3A_352 : i32
        %dma_start3A_354 = arith.constant 0 : i32
        %dma_start3A_355 = tpu.memref_slice %arg2[%add3A_353, %dma_start3A_354] : memref<32768x1024xf32, #tpu.memory_space<hbm>> -> memref<16x1024xf32, #tpu.memory_space<hbm>>
        %dma_start3A_356 = arith.constant 0 : i32
        %dma_start3A_357 = tpu.memref_slice %arg2[%add3A_353, %dma_start3A_356] : memref<32768x1024xf32, #tpu.memory_space<hbm>> -> memref<16x1024xf32, #tpu.memory_space<hbm>>
        tpu.enqueue_dma source(%dma_start3A_357 : memref<16x1024xf32, #tpu.memory_space<hbm>>) target(%arg6 : memref<16x1024xf32, #tpu.memory_space<vmem>>) target_semaphore(%arg12 : memref<!tpu.dma_semaphore, #tpu.memory_space<semaphore_mem>>)
      } else {
      }
      %parallel_loop3A_329 = arith.constant 0 : i32
      %parallel_loop3A_330 = arith.constant 1024 : i32
      %parallel_loop3A_331 = arith.constant 1 : i32
      scf.for %parallel_loop3A_341 = %parallel_loop3A_329 to %parallel_loop3A_330 step %parallel_loop3A_331  : i32 {
        %parallel_loop3A_342 = arith.constant 64 : i32
        %parallel_loop3A_343 = arith.divsi %parallel_loop3A_341, %parallel_loop3A_342 : i32
        %parallel_loop3A_344 = arith.constant 0 : i32
        %parallel_loop3A_345 = arith.cmpi sgt, %parallel_loop3A_341, %parallel_loop3A_344 : i32
        %parallel_loop3A_346 = arith.extui %parallel_loop3A_345 : i1 to i32
        %parallel_loop3A_347 = arith.constant 0 : i32
        %parallel_loop3A_348 = arith.cmpi slt, %parallel_loop3A_341, %parallel_loop3A_347 : i32
        %parallel_loop3A_349 = arith.extui %parallel_loop3A_348 : i1 to i32
        %parallel_loop3A_350 = arith.subi %parallel_loop3A_346, %parallel_loop3A_349 : i32
        %parallel_loop3A_351 = arith.constant 0 : i32
        %parallel_loop3A_352 = arith.cmpi sgt, %parallel_loop3A_342, %parallel_loop3A_351 : i32
        %parallel_loop3A_353 = arith.extui %parallel_loop3A_352 : i1 to i32
        %parallel_loop3A_354 = arith.constant 0 : i32
        %parallel_loop3A_355 = arith.cmpi slt, %parallel_loop3A_342, %parallel_loop3A_354 : i32
        %parallel_loop3A_356 = arith.extui %parallel_loop3A_355 : i1 to i32
        %parallel_loop3A_357 = arith.subi %parallel_loop3A_353, %parallel_loop3A_356 : i32
        %parallel_loop3A_358 = arith.cmpi ne, %parallel_loop3A_350, %parallel_loop3A_357 : i32
        %parallel_loop3A_359 = arith.remsi %parallel_loop3A_341, %parallel_loop3A_342 : i32
        %parallel_loop3A_360 = arith.constant 0 : i32
        %parallel_loop3A_361 = arith.cmpi ne, %parallel_loop3A_359, %parallel_loop3A_360 : i32
        %parallel_loop3A_362 = arith.andi %parallel_loop3A_358, %parallel_loop3A_361 : i1
        %parallel_loop3A_363 = arith.constant 1 : i32
        %parallel_loop3A_364 = arith.subi %parallel_loop3A_343, %parallel_loop3A_363 : i32
        %parallel_loop3A_365 = arith.select %parallel_loop3A_362, %parallel_loop3A_364, %parallel_loop3A_343 : i32
        %parallel_loop3A_366 = arith.constant 64 : i32
        %parallel_loop3A_367 = arith.constant 0 : i32
        %parallel_loop3A_368 = arith.cmpi eq, %parallel_loop3A_366, %parallel_loop3A_367 : i32
        %parallel_loop3A_369 = arith.constant 1 : i32
        %parallel_loop3A_370 = arith.select %parallel_loop3A_368, %parallel_loop3A_369, %parallel_loop3A_366 : i32
        %parallel_loop3A_371 = arith.remsi %parallel_loop3A_341, %parallel_loop3A_370 : i32
        %parallel_loop3A_372 = arith.constant 0 : i32
        %parallel_loop3A_373 = arith.cmpi ne, %parallel_loop3A_371, %parallel_loop3A_372 : i32
        %parallel_loop3A_374 = arith.constant 0 : i32
        %parallel_loop3A_375 = arith.cmpi slt, %parallel_loop3A_371, %parallel_loop3A_374 : i32
        %parallel_loop3A_376 = arith.constant 0 : i32
        %parallel_loop3A_377 = arith.cmpi slt, %parallel_loop3A_370, %parallel_loop3A_376 : i32
        %parallel_loop3A_378 = arith.xori %parallel_loop3A_375, %parallel_loop3A_377 : i1
        %parallel_loop3A_379 = arith.andi %parallel_loop3A_378, %parallel_loop3A_373 : i1
        %parallel_loop3A_380 = arith.addi %parallel_loop3A_371, %parallel_loop3A_370 : i32
        %parallel_loop3A_381 = arith.select %parallel_loop3A_379, %parallel_loop3A_380, %parallel_loop3A_371 : i32
        %parallel_loop3A_382 = arith.constant 16 : i32
        %parallel_loop3A_383 = arith.muli %parallel_loop3A_381, %parallel_loop3A_382 : i32
        %parallel_loop3A_384 = arith.index_cast %parallel_loop3A_365 : i32 to index
        %parallel_loop3A_385 = arith.index_cast %parallel_loop3A_383 : i32 to index
        %parallel_loop3A_386 = tpu.vector_load %arg10[%parallel_loop3A_384, %parallel_loop3A_385] {strides = array<i32>} : memref<16x1024xf32, #tpu.memory_space<vmem>>, vector<1x16xf32>,
        %parallel_loop3A_387 = vector.shape_cast %parallel_loop3A_386 : vector<1x16xf32> to vector<16xf32>
        %parallel_loop3A_388 = arith.index_cast %parallel_loop3A_365 : i32 to index
        %parallel_loop3A_389 = arith.index_cast %parallel_loop3A_383 : i32 to index
        %parallel_loop3A_390 = tpu.vector_load %arg8[%parallel_loop3A_388, %parallel_loop3A_389] {strides = array<i32>} : memref<16x1024xf32, #tpu.memory_space<vmem>>, vector<1x16xf32>,
        %parallel_loop3A_391 = vector.shape_cast %parallel_loop3A_390 : vector<1x16xf32> to vector<16xf32>
        %parallel_loop3A_392 = vector.shape_cast %parallel_loop3A_387 : vector<16xf32> to vector<1x16xf32>
        tpu.vector_store %arg8[%parallel_loop3A_388, %parallel_loop3A_389], %parallel_loop3A_392 {add = true, strides = array<i32>} : memref<16x1024xf32, #tpu.memory_space<vmem>>, vector<1x16xf32>,
      } {sc.loop_unroll_factor = 8 : i64, sc.parallel_access}
      %add3A_332 = arith.constant 24576 : i32
      %add3A_333 = arith.addi %add3A_332, %mul3A_2 : i32
      %mul3A_334 = arith.constant 16 : i32
      %mul3A_335 = arith.muli %add3A_197, %mul3A_334 : i32
      %add3A_336 = arith.addi %add3A_333, %mul3A_335 : i32
      %dma_start3A_337 = arith.constant 0 : i32
      %dma_start3A_338 = tpu.memref_slice %arg4[%add3A_336, %dma_start3A_337] : memref<32768x1024xf32, #tpu.memory_space<hbm>> -> memref<16x1024xf32, #tpu.memory_space<hbm>>
      %dma_start3A_339 = arith.constant 0 : i32
      %dma_start3A_340 = tpu.memref_slice %arg4[%add3A_336, %dma_start3A_339] : memref<32768x1024xf32, #tpu.memory_space<hbm>> -> memref<16x1024xf32, #tpu.memory_space<hbm>>
      tpu.enqueue_dma source(%arg8 : memref<16x1024xf32, #tpu.memory_space<vmem>>) target(%dma_start3A_340 : memref<16x1024xf32, #tpu.memory_space<hbm>>) target_semaphore(%arg18 : memref<!tpu.dma_semaphore, #tpu.memory_space<semaphore_mem>>)
    }
    %scan3A_27 = arith.constant 8 : i32
    %dma_wait3A = arith.constant 0 : i32
    %dma_wait3A_28 = arith.constant 0 : i32
    %dma_wait3A_29 = tpu.memref_slice %arg4[%dma_wait3A, %dma_wait3A_28] : memref<32768x1024xf32, #tpu.memory_space<hbm>> -> memref<16x1024xf32, #tpu.memory_space<hbm>>
    %dma_wait3A_30 = arith.constant 0 : i32
    %dma_wait3A_31 = arith.constant 0 : i32
    %dma_wait3A_32 = tpu.memref_slice %arg4[%dma_wait3A_30, %dma_wait3A_31] : memref<32768x1024xf32, #tpu.memory_space<hbm>> -> memref<16x1024xf32, #tpu.memory_space<hbm>>
    tpu.wait_dma2 semaphore(%arg15 : memref<!tpu.dma_semaphore, #tpu.memory_space<semaphore_mem>>) src(%arg5 : memref<16x1024xf32, #tpu.memory_space<vmem>>) dst(%dma_wait3A_32 : memref<16x1024xf32, #tpu.memory_space<hbm>>)
    %dma_wait3A_33 = arith.constant 0 : i32
    %dma_wait3A_34 = arith.constant 0 : i32
    %dma_wait3A_35 = tpu.memref_slice %arg4[%dma_wait3A_33, %dma_wait3A_34] : memref<32768x1024xf32, #tpu.memory_space<hbm>> -> memref<16x1024xf32, #tpu.memory_space<hbm>>
    %dma_wait3A_36 = arith.constant 0 : i32
    %dma_wait3A_37 = arith.constant 0 : i32
    %dma_wait3A_38 = tpu.memref_slice %arg4[%dma_wait3A_36, %dma_wait3A_37] : memref<32768x1024xf32, #tpu.memory_space<hbm>> -> memref<16x1024xf32, #tpu.memory_space<hbm>>
    tpu.wait_dma2 semaphore(%arg16 : memref<!tpu.dma_semaphore, #tpu.memory_space<semaphore_mem>>) src(%arg6 : memref<16x1024xf32, #tpu.memory_space<vmem>>) dst(%dma_wait3A_38 : memref<16x1024xf32, #tpu.memory_space<hbm>>)
    %dma_wait3A_39 = arith.constant 0 : i32
    %dma_wait3A_40 = arith.constant 0 : i32
    %dma_wait3A_41 = tpu.memref_slice %arg4[%dma_wait3A_39, %dma_wait3A_40] : memref<32768x1024xf32, #tpu.memory_space<hbm>> -> memref<16x1024xf32, #tpu.memory_space<hbm>>
    %dma_wait3A_42 = arith.constant 0 : i32
    %dma_wait3A_43 = arith.constant 0 : i32
    %dma_wait3A_44 = tpu.memref_slice %arg4[%dma_wait3A_42, %dma_wait3A_43] : memref<32768x1024xf32, #tpu.memory_space<hbm>> -> memref<16x1024xf32, #tpu.memory_space<hbm>>
    tpu.wait_dma2 semaphore(%arg17 : memref<!tpu.dma_semaphore, #tpu.memory_space<semaphore_mem>>) src(%arg7 : memref<16x1024xf32, #tpu.memory_space<vmem>>) dst(%dma_wait3A_44 : memref<16x1024xf32, #tpu.memory_space<hbm>>)
    %dma_wait3A_45 = arith.constant 0 : i32
    %dma_wait3A_46 = arith.constant 0 : i32
    %dma_wait3A_47 = tpu.memref_slice %arg4[%dma_wait3A_45, %dma_wait3A_46] : memref<32768x1024xf32, #tpu.memory_space<hbm>> -> memref<16x1024xf32, #tpu.memory_space<hbm>>
    %dma_wait3A_48 = arith.constant 0 : i32
    %dma_wait3A_49 = arith.constant 0 : i32
    %dma_wait3A_50 = tpu.memref_slice %arg4[%dma_wait3A_48, %dma_wait3A_49] : memref<32768x1024xf32, #tpu.memory_space<hbm>> -> memref<16x1024xf32, #tpu.memory_space<hbm>>
    tpu.wait_dma2 semaphore(%arg18 : memref<!tpu.dma_semaphore, #tpu.memory_space<semaphore_mem>>) src(%arg8 : memref<16x1024xf32, #tpu.memory_space<vmem>>) dst(%dma_wait3A_50 : memref<16x1024xf32, #tpu.memory_space<hbm>>)
    return
  }
}

</mosaic_0001>

<sc_bundles>
// kernel: kernel.3.cloned.1.call-start
scs
__scs_entry_jumppad:
0x0: {  	(pc) =	sbr.rel $0x88, $3  }
0x1: {  	(tag) =	ssettag $0x0;
	lr =	simm.s32 $0x1  }
0x2: {  	[smem:$0x3F9F] =	sst lr;
	_ =	strace $0xD0000000  }
0x3: {  	_ = 	snop  }
0x4: {  	_ = 	snop  }
0x5: {  	_ = 	snop  }
0x6: {  	_ = 	snop  }
0x7: {  	_ = 	snop  }
__scs_overlays_trampoline_lowered:
0x8: {  	[smem:$0x3FAE] =	sst s0  }
0x9: {  	[smem:$0x3FAF] =	sst s1  }
0xa: {  	[smem:$0x3FB0] =	sst s2  }
0xb: {  	[smem:$0x3FB1] =	sst s3  }
0xc: {  	[smem:$0x3FB2] =	sst s4  }
0xd: {  	[smem:$0x3FB3] =	sst s5  }
0xe: {  	[smem:$0x3FB4] =	sst s6  }
0xf: {  	[smem:$0x3FB5] =	sst s7  }
0x10: {  	[smem:$0x3FB6] =	sst s8  }
0x11: {  	[smem:$0x3FB7] =	sst s9;
	s0 =	simm.s32 @!p0 $0x0  }
0x12: {  	s1 =	sld [smem:$0x3F9D];
	s0 =	simm.s32 @p0 $0x1  }
0x13: {  	[smem:$0x3FB8] =	sst s0;
	s0 =	simm.s32 @!p1 $0x0  }
0x14: {  	s2 =	sld [smem:$0x3F9C];
	s0 =	simm.s32 @p1 $0x1  }
0x15: {  	[smem:$0x3FB9] =	sst s0;
	s0 =	simm.s32 @!p2 $0x0  }
0x16: {  	s3 =	sld [smem:$0x3FDB];
	s0 =	simm.s32 @p2 $0x1  }
0x17: {  	s4 =	simm.s32 $0x1BF5;
	[smem:$0x3FBB] =	sst s0  }
0x18: {  	s0 =	sld [smem:$0x3F9E];
	_ =	swait.ge [sflag:s4], $0x0  }
0x19: {  	s7 =	sld [smem:$0x3F9F]  }
0x1a: {  	s8 =	sadd.s32 $0xFFFFE003, lr  }
0x1b: {  	s9 =	sadd.s32 $0xFFFFFEF7, lr;
	s5 =	simm.s32 $0xFFFFFFFF;
	p2 =	slt.u32 s8, $0xFFFFF086  }
0x1c: {  	p1 =	slt.u32 s9, $0xF7A;
	s5 =	simm.s32 @!p2 $0x0  }
0x1d: {  	s5 =	simm.s32 @p1 $0x1;
	p0 =	seq.s32 s7, s2  }
0x1e: {  	s7 =	smul.u32 @!p0 $0xF7A, s2;
	p2 =	seq.s32 @!p0 s5, $0x0  }
0x1f: {  	s9 =	smul.u32 $0xF7A, s1;
	s8 =	simm.s32 @!p0 $0x1BF5;
	p2 =	por !p2, p0  }
0x20: {  	[sflag:s8] =	ssyncset.s32 @!p0 $0xFFFFF086;
	s6 =	sadd.s32 @!p0 s3, s7;
	s7 =	simm.s32 @!p0 $0x108  }
0x21: {  	s3 =	sadd.s32 s3, s9;
	s6 =	sadd.s32 @!p0 $0x88, s6;
	s7 =	simm.s32 @p2 $0x1082  }
0x22: {  	[simem:s7], [sflag:s8] =	dma.local @!p0 [hbm:s6], $0xF7A  }
0x23: {  	s9 =	sor.u32 $0xD0000000, s2;
	s6 =	simm.s32 $0x108;
	_ =	swait.ge @!p0 [sflag:s8], $0x0  }
0x24: {  	s3 =	sadd.s32 $0x88, s3;
	s6 =	simm.s32 @!p1 $0x1082;
	[sflag:s4] =	ssyncset.s32 $0xFFFFF086  }
0x25: {  	[simem:s6], [sflag:s4] =	dma.local [hbm:s3], $0xF7A  }
0x26: {  	[smem:$0x3F9F] =	sst s1;
	(tag) =	ssettag s2;
	_ =	strace s9  }
0x27: {  	s1 =	sld [smem:$0x3FAF]  }
0x28: {  	s2 =	sld [smem:$0x3FB0]  }
0x29: {  	s4 =	sld [smem:$0x3FB2]  }
0x2a: {  	p0 =	seq.s32 s5, $0x0;
	s5 =	sld [smem:$0x3FB3]  }
0x2b: {  	s6 =	sld [smem:$0x3FB4]  }
0x2c: {  	s7 =	sld [smem:$0x3FB5]  }
0x2d: {  	s3 =	simm.s32 $0x108;
	s8 =	sld [smem:$0x3FB6]  }
0x2e: {  	s3 =	simm.s32 @!p0 $0x1082;
	s9 =	sld [smem:$0x3FB7]  }
0x2f: {  	lr =	sadd.s32 s0, s3;
	s0 =	sld [smem:$0x3FAE]  }
0x30: {  	s3 =	sld [smem:$0x3FB1]  }
0x31: {  	[smem:$0x3FBA] =	sst s10  }
0x32: {  	s10 =	sld [smem:$0x3FB8];
	_ =	sdelay $0x3  }
0x33: {  	p0 =	seq.s32 s10, $0x1;
	s10 =	sld [smem:$0x3FBA];
	_ =	sdelay $0x3  }
0x34: {  	[smem:$0x3FBA] =	sst s10  }
0x35: {  	s10 =	sld [smem:$0x3FB9];
	_ =	sdelay $0x3  }
0x36: {  	p1 =	seq.s32 s10, $0x1;
	s10 =	sld [smem:$0x3FBA];
	_ =	sdelay $0x3  }
0x37: {  	[smem:$0x3FBA] =	sst s10  }
0x38: {  	s10 =	sld [smem:$0x3FBB]  }
0x39: {  	_ = 	snop;
	(pc) =	sbr.ind lr, $3  }
0x3a: {  	_ = 	snop  }
0x3b: {  	_ = 	snop  }
0x3c: {  	p2 =	seq.s32 s10, $0x1;
	s10 =	sld [smem:$0x3FBA]  }
0x3d: {  	_ =	shalt  }
0x3e: {  	_ =	shalt  }
0x3f: {  	_ =	shalt  }
0x40: {  	_ =	shalt  }
0x41: {  	_ =	shalt  }
0x42: {  	_ =	shalt  }
0x43: {  	_ =	shalt  }
0x44: {  	_ =	shalt  }
0x45: {  	_ =	shalt  }
0x46: {  	_ =	shalt  }
0x47: {  	_ =	shalt  }
0x48: {  	_ =	shalt  }
0x49: {  	_ =	shalt  }
0x4a: {  	_ =	shalt  }
0x4b: {  	_ =	shalt  }
0x4c: {  	_ =	shalt  }
0x4d: {  	_ =	shalt  }
0x4e: {  	_ =	shalt  }
0x4f: {  	_ =	shalt  }
0x50: {  	_ =	shalt  }
0x51: {  	_ =	shalt  }
0x52: {  	_ =	shalt  }
0x53: {  	_ =	shalt  }
0x54: {  	_ =	shalt  }
0x55: {  	_ =	shalt  }
0x56: {  	_ =	shalt  }
0x57: {  	_ =	shalt  }
0x58: {  	_ =	shalt  }
0x59: {  	_ =	shalt  }
0x5a: {  	_ =	shalt  }
0x5b: {  	_ =	shalt  }
0x5c: {  	_ =	shalt  }
0x5d: {  	_ =	shalt  }
0x5e: {  	_ =	shalt  }
0x5f: {  	_ =	shalt  }
0x60: {  	_ =	shalt  }
0x61: {  	_ =	shalt  }
0x62: {  	_ =	shalt  }
0x63: {  	_ =	shalt  }
0x64: {  	_ =	shalt  }
0x65: {  	_ =	shalt  }
0x66: {  	_ =	shalt  }
0x67: {  	_ =	shalt  }
0x68: {  	_ =	shalt  }
0x69: {  	_ =	shalt  }
0x6a: {  	_ =	shalt  }
0x6b: {  	_ =	shalt  }
0x6c: {  	_ =	shalt  }
0x6d: {  	_ =	shalt  }
0x6e: {  	_ =	shalt  }
0x6f: {  	_ =	shalt  }
0x70: {  	_ =	shalt  }
0x71: {  	_ =	shalt  }
0x72: {  	_ =	shalt  }
0x73: {  	_ =	shalt  }
0x74: {  	_ =	shalt  }
0x75: {  	_ =	shalt  }
0x76: {  	_ =	shalt  }
0x77: {  	_ =	shalt  }
0x78: {  	_ =	shalt  }
0x79: {  	_ =	shalt  }
0x7a: {  	_ =	shalt  }
0x7b: {  	_ =	shalt  }
0x7c: {  	_ =	shalt  }
0x7d: {  	_ =	shalt  }
0x7e: {  	_ =	shalt  }
0x7f: {  	_ =	shalt  }
0x80: {  	_ =	shalt  }
0x81: {  	_ =	shalt  }
0x82: {  	_ =	shalt  }
0x83: {  	_ =	shalt  }
0x84: {  	_ =	shalt  }
0x85: {  	_ =	shalt  }
0x86: {  	_ =	shalt  }
0x87: {  	_ =	shalt  }
.Lfunc_end0:
.L_simem_size_0:
called_computation_lowered:
.L_overlay_start_0:
0x88: {  	s2 =	sld [smem:$0x3FD9]  }
0x89: {  	s3 =	sld [smem:$0x3FFE];
	_ =	sdelay $0x1  }
0x8a: {  	s1 =	srdreg.scid  }
0x8b: {  	s0 =	sand.u32 $0x1, s1  }
0x8c: {  	s18 =	sshll.u32 s0, $0xA;
	s2 =	sadd.s32 s3, s2  }
0x8d: {  	s2 =	sadd.s32 s2, s18  }
0x8e: {  	[smem:$0x3FC6] =	sst s2  }
0x8f: {  	_ = 	snop  }
0x90: {  	s2 =	sld [smem:$0x3FC9]  }
0x91: {  	s19 =	sld [smem:$0x3FC8]  }
0x92: {  	s4 =	sld [smem:$0x3FD0];
	(tm) =	ssettm $0x1  }
0x93: {  	s5 =	sld [smem:$0x3FFB];
	_ =	sdelay $0x3  }
0x94: {  	_ =	strace s5  }
0x95: {  	s5 =	sld [smem:$0x3FFC];
	_ =	sdelay $0x3  }
0x96: {  	_ =	strace s5  }
0x97: {  	s5 =	sld [smem:$0x3FFD];
	_ =	sdelay $0x3  }
0x98: {  	_ =	strace s5  }
0x99: {  	_ =	strace $0x8FFFFFFF  }
0x9a: {  	s20 =	sld [smem:$0x3FDB];
	_ =	sdelay $0x1  }
0x9b: {  	s6 =	simm.s32 $_scs_section_size  }
0x9c: {  	s7 =	simm.s32 $_size__tile_overlayer_lowered;
	s8 =	simm.s32 $_tile_overlayer_lowered  }
0x9d: {  	s23 =	simm.s32 $0x1BFF;
	s22 =	sshll.u32 s8, $0x1;
	s5 =	sadd.s32 s6, s20  }
0x9e: {  	s9 =	simm.s32 $0x0;
	s21 =	sshll.u32 s7, $0x1;
	s7 =	sadd.s32 s22, s5  }
0x9f: {  	[timem:s9], [sflag:s23] =	dma.local [hbm:s7], s21  }
0xa0: {  	_ =	swait.ge [sflag:s23], s21  }
0xa1: {  	s6 =	ssub.s32 $0x0, s21;
	[sflag:s23] =	ssyncset.done $0x0  }
0xa2: {  	[sflag:s23] =	ssyncadd.s32 s6;
	_ =	sdelay $0x1  }
0xa3: {  	s24 =	simm.s32 $0x1B8B  }
0xa4: {  	_ =	swait.ge [sflag:s24], $0x1  }
0xa5: {  	[sflag:s24] =	ssyncset.done $0x0  }
0xa6: {  	s25 =	simm.s32 $0x1B8E;
	[sflag:s24] =	ssyncadd.s32 $0xFFFFFFFF  }
0xa7: {  	s26 =	simm.s32 $execute0_lowered;
	[smem:$0x3FD2] =	sst s25  }
0xa8: {  	s6 =	sshll.u32 s26, $0x1;
	_ =	strace $0x80000046;
	[dreg:$0x1] =	wrdreg $0xFFFFFFFF  }
0xa9: {  	s28 =	simm.s32 $_size_execute0_lowered;
	s5 =	sadd.s32 s5, s6;
	[dreg:$0x0] =	wrdreg $0x0  }
0xaa: {  	s6 =	sshll.u32 s28, $0x1;
	[dreg:$0x2] =	wrdreg s5  }
0xab: {  	[dreg:$0x3] =	wrdreg s6  }
0xac: {  	[dreg:$0x4] =	wrdreg $0xC0  }
0xad: {  	_ =	task [dreg:s9], $0x5FFFF  }
0xae: {  	[dreg:$0x1] =	wrdreg $0xFFFFFFFF  }
0xaf: {  	[dreg:$0x0] =	wrdreg $0x60  }
0xb0: {  	[dreg:$0x2] =	wrdreg s2  }
0xb1: {  	[dreg:$0x3] =	wrdreg s19  }
0xb2: {  	[dreg:$0x4] =	wrdreg s4  }
0xb3: {  	[dreg:$0x5] =	wrdreg $0x9  }
0xb4: {  	_ =	task.clear_ibuf [dreg:s9], $0x6FFFF;
	_ =	strace $0x90000046  }
0xb5: {  	s29 =	simm.s32 $0x9;
	_ =	strace $0x80000048  }
0xb6: {  	_ =	swait.ge [sflag:s29], $0x1  }
0xb7: {  	[sflag:s29] =	ssyncadd.s32 $0xFFFFFFFF  }
0xb8: {  	_ =	strace $0x90000048  }
0xb9: {  	_ =	sfence  }
0xba: {  	s30 =	sld [smem:$0x0];
	_ =	sdelay $0x2  }
0xbb: {  	s31 =	sshll.u32 s1, $0xD;
	s1 =	sshrl.u32 s1, $0x2  }
0xbc: {  	s3 =	sand.u32 $0x4000, s31;
	s1 =	sadd.s32 s1, s30  }
0xbd: {  	s0 =	sor.u32 s3, s0;
	s1 =	sshll.u32 s1, $0x11  }
0xbe: {  	s0 =	sor.u32 s1, s0  }
0xbf: {  	s0 =	sadd.s32 $0x8F2B, s0  }
0xc0: {  	[sflag:s0] =	ssyncadd.remote.s32 $0x1  }
0xc1: {  	_ =	sfence.sel $0xFFFF  }
0xc2: {  	[dreg:$0x0] =	wrdreg $0xFFFFFFFF;
	(pc) =	sbr.abs _section_cstart, $3  }
0xc3: {  	[dreg:$0x1] =	wrdreg $0xFFFFFFFF  }
0xc4: {  	_ =	task.clear_ibuf [dreg:s9], $0x2FFFF;
	_ =	strace $0x9FFFFFFF  }
0xc5: {  	(tm) =	ssettm $0x7FFFFFFF  }
tec
execute0_lowered:
.L_overlay_start_1:
0x0: {  	(tag) =	ssettag $0x1  }
0x1: {  	s1 =	rddreg [dreg:$0x0]  }
0x2: {  	s6 =	rddreg [dreg:$0x1]  }
0x3: {  	s4 =	rddreg [dreg:$0x2];
	s0 =	srdreg.scid;
	s5 =	simm.s32 $0x0  }
0x4: {  	s2 =	stileid.u32;
	s13 =	simm.s32 $0x4000;
	s19 =	simm.s32 $0x1  }
0x5: {  	s21 =	simm.s32 $0x2;
	s22 =	simm.s32 $0xC000;
	s0 =	sand.u32 $0x1, s0  }
0x6: {  	s23 =	simm.s32 $0x3;
	s2 =	sshll.u32 s2, $0x9;
	s3 =	sshll.u32 s0, $0x8  }
0x7: {  	[smem:$0x7FF] =	sst s5;
	s0 =	ssub.s32 $0x2, s0;
	s3 =	sor.u32 s3, s2  }
0x8: {  	_ =	strace $0x80000047;
	s24 =	sshrl.u32 s0, $0x1;
	s7 =	sshll.u32 s3, $0x7  }
0x9: {  	s29 =	sor.u32 $0x2000, s3;
	s0 =	ssub.s32 s0, s24;
	s30 =	sor.u32 $0x4000, s3  }
0xa: {  	s12 =	smov.u32 s3;
	s31 =	sor.u32 $0x6000, s3;
	[dreg:$0x4] =	wrdreg s7  }
0xb: {  	s24 =	simm.s32 $0x8000;
	s25 =	sadd.s32 s6, s7;
	[dreg:$0x7] =	wrdreg s31  }
0xc: {  	s3 =	simm.s32 $0x0;
	s28 =	sadd.s32 s1, s7;
	[dreg:$0x5] =	wrdreg s25  }
0xd: {  	s26 =	sshll.u32 s29, $0x7;
	s0 =	smax.u32 s0, $0x1;
	[dreg:$0x6] =	wrdreg s28  }
0xe: {  	s11 =	sadd.s32 s1, s26;
	[dreg:$0x8] =	wrdreg s0;
	s25 =	simm.s32 $0x4  }
.LBB2_1:
0xf: {  	s0 =	rddreg [dreg:$0x5];
	s2 =	simm.s32 $0x10000  }
0x10: {  	[tilespmem:s2], [sflag:$0x9] =	stream.linear.gather [hbm4b:s0+s5], $0x4000, $0x38;
	[tilespmem:$0x18000] =	vst v63  }
0x11: {  	s31 =	rddreg [dreg:$0x6]  }
0x12: {  	[tilespmem:s5], [sflag:$0x1] =	stream.linear.gather [hbm4b:s31+s5], $0x4000, $0x38;
	[tilespmem:$0x18000] =	vst v63  }
0x13: {  	[dreg:$0x9] =	wrdreg s3;
	s0 =	simm.s32 $0x0  }
0x14: {  	[tilespmem:s13], [sflag:$0x2] =	stream.linear.gather [hbm4b:s11+s5], $0x4000, $0x38;
	[tilespmem:$0x18000] =	vst v63  }
.LBB2_2:
0x15: {  	s6 =	simm.s32 $0x9  }
0x16: {  	_ =	swait.ge [sflag:s6], $0x4000  }
0x17: {  	s3 =	sshllo.u32 s0, $0x1;
	[sflag:s6] =	ssyncset.done $0x0  }
0x18: {  	s14 =	sshll.u32 s3, $0xB;
	s2 =	rddreg [dreg:$0x4];
	[sflag:s6] =	ssyncadd.s32 $0xFFFFC000  }
0x19: {  	s18 =	sor.u32 s2, s14;
	s20 =	rddreg [dreg:$0x1]  }
0x1a: {  	s26 =	simm.s32 $0x14000;
	s2 =	sadd.s32 s20, s18  }
0x1b: {  	[tilespmem:s26], [sflag:$0xA] =	stream.linear.gather [hbm4b:s2+s5], $0x4000, $0x38;
	[tilespmem:$0x18000] =	vst v63  }
0x1c: {  	_ =	swait.ge [sflag:s19], $0x4000  }
0x1d: {  	p0 =	seq.s32 s0, $0x0;
	[sflag:s19] =	ssyncset.done $0x0  }
0x1e: {  	s7 =	sshll.u32 s0, $0x5;
	s2 =	simm.s32 @!p0 $0x7;
	[sflag:s19] =	ssyncadd.s32 $0xFFFFC000  }
0x1f: {  	s13 =	smov.u32 s29;
	s9 =	sor.u32 s30, s7;
	_ =	swait.ge @!p0 [sflag:s2], $0x4000  }
0x20: {  	s29 =	simm.s32 $0x0;
	s31 =	sshll.u32 s9, $0x7;
	[sflag:s2] =	ssyncset.done @!p0 $0x0  }
0x21: {  	s9 =	sadd.s32 s1, s31;
	[sflag:s2] =	ssyncadd.s32 @!p0 $0xFFFFC000;
	s2 =	simm.s32 $0x0  }
0x22: {  	[tilespmem:s24], [sflag:$0x3] =	stream.linear.gather [hbm4b:s9+s2], $0x4000, $0x38;
	[tilespmem:$0x18000] =	vst v63  }
0x23: {  	s15 =	simm.s32 $0x0;
	s9 =	sand.u32 $0x2000, s29;
	s10 =	sand.u32 $0x1C00, s2  }
0x24: {  	s20 =	smov.u32 s30;
	s30 =	sand.u32 $0x380, s15;
	s9 =	sor.u32 s10, s9  }
0x25: {  	s10 =	sor.u32 s30, s9  }
0x26: {  	v0 =	vld [tilespmem:s10+$0x10070]  }
0x27: {  	v5 =	vld [tilespmem:s10+$0x10000]  }
0x28: {  	v6 =	vld [tilespmem:s10+$0x10010]  }
0x29: {  	v4 =	vld [tilespmem:s10+$0x10020]  }
0x2a: {  	v2 =	vld [tilespmem:s10+$0x10030]  }
0x2b: {  	v3 =	vld [tilespmem:s10+$0x10040]  }
0x2c: {  	s9 =	sor.u32 $0x70, s10;
	v1 =	vld [tilespmem:s10+$0x10060]  }
0x2d: {  	[tilespmem:s9+$0x0] =	vst.add.f32.msk $0xffff, v0  }
0x2e: {  	s15 =	sshll.u32 s0, $0x1;
	s26 =	sor.u32 $0x10, s10;
	v0 =	vld [tilespmem:s10+$0x10050]  }
0x2f: {  	s24 =	sor.u32 $0x20, s10;
	s28 =	sor.u32 $0x30, s10;
	s16 =	sor.u32 $0x40, s10;
	[tilespmem:s10+$0x0] =	vst.add.f32.msk $0xffff, v5  }
0x30: {  	s17 =	sor.u32 $0x50, s10;
	s9 =	simm.s32 $0x0;
	s10 =	sor.u32 $0x60, s10;
	[tilespmem:s26+$0x0] =	vst.add.f32.msk $0xffff, v6  }
.LBB2_3:
0x31: {  	s9 =	sadd.s32 $0x8, s9;
	[tilespmem:s24+$0x0] =	vst.add.f32.msk $0xffff, v4  }
0x32: {  	s2 =	sadd.s32 $0x400, s2;
	s24 =	sshll.u32 s9, $0x4;
	p1 =	slt.u32 s9, $0x3F8;
	[tilespmem:s28+$0x0] =	vst.add.f32.msk $0xffff, v2  }
0x33: {  	s26 =	sand.u32 $0x1C00, s2;
	s28 =	sshll.u32 s9, $0x1;
	s24 =	sand.u32 $0x2000, s24;
	[tilespmem:s16+$0x0] =	vst.add.f32.msk $0xffff, v3  }
0x34: {  	s16 =	sor.u32 s26, s24;
	s24 =	sand.u32 $0x380, s28;
	[tilespmem:s17+$0x0] =	vst.add.f32.msk $0xffff, v0  }
0x35: {  	s26 =	sor.u32 s24, s16;
	[tilespmem:s10+$0x0] =	vst.add.f32.msk $0xffff, v1  }
0x36: {  	s29 =	sor.u32 $0x10, s26;
	s24 =	sor.u32 $0x20, s26;
	s28 =	sor.u32 $0x30, s26;
	v0 =	vld [tilespmem:s26+$0x10070]  }
0x37: {  	s16 =	sor.u32 $0x40, s26;
	s17 =	sor.u32 $0x50, s26;
	s10 =	sor.u32 $0x60, s26;
	v5 =	vld [tilespmem:s26+$0x10000]  }
0x38: {  	v6 =	vld [tilespmem:s26+$0x10010]  }
0x39: {  	v4 =	vld [tilespmem:s26+$0x10020]  }
0x3a: {  	s30 =	sor.u32 $0x70, s26;
	v2 =	vld [tilespmem:s26+$0x10030]  }
0x3b: {  	[tilespmem:s30+$0x0] =	vst.add.f32.msk $0xffff, v0  }
.Ltmp0:
0x3c: {  	v3 =	vld [tilespmem:s26+$0x10040];
	(pc) =	sbr.rel @p1 .LBB2_3-.Ltmp0, $4  }
0x3d: {  	v0 =	vld [tilespmem:s26+$0x10050]  }
0x3e: {  	v1 =	vld [tilespmem:s26+$0x10060]  }
0x3f: {  	[tilespmem:s26+$0x0] =	vst.add.f32.msk $0xffff, v5  }
0x40: {  	[tilespmem:s29+$0x0] =	vst.add.f32.msk $0xffff, v6  }
0x41: {  	[tilespmem:s24+$0x0] =	vst.add.f32.msk $0xffff, v4  }
0x42: {  	[tilespmem:s28+$0x0] =	vst.add.f32.msk $0xffff, v2  }
0x43: {  	[tilespmem:s16+$0x0] =	vst.add.f32.msk $0xffff, v3;
	s2 =	sadd.s32 s12, s7  }
0x44: {  	[tilespmem:s17+$0x0] =	vst.add.f32.msk $0xffff, v0;
	s2 =	sshll.u32 s2, $0x7  }
0x45: {  	[tilespmem:s10+$0x0] =	vst.add.f32.msk $0xffff, v1;
	s2 =	sadd.s32 s4, s2  }
0x46: {  	[hbm4b:s2+s5] =	stream.linear.scatter [tilespmem:s5], [sflag:$0x5], $0x4000, $0x38;
	[tilespmem:$0x18000] =	vst v63  }
0x47: {  	_ =	swait.ge [sflag:s21], $0x4000  }
0x48: {  	[sflag:s21] =	ssyncset.done $0x0  }
0x49: {  	s9 =	simm.s32 @!p0 $0x8;
	[sflag:s21] =	ssyncadd.s32 $0xFFFFC000  }
0x4a: {  	s24 =	simm.s32 $0x0;
	_ =	swait.ge @!p0 [sflag:s9], $0x4000  }
0x4b: {  	s29 =	simm.s32 $0x0;
	s16 =	rddreg [dreg:$0x7];
	[sflag:s9] =	ssyncset.done @!p0 $0x0  }
0x4c: {  	s2 =	sor.u32 s16, s7;
	[sflag:s9] =	ssyncadd.s32 @!p0 $0xFFFFC000;
	s9 =	simm.s32 $0x0  }
0x4d: {  	s10 =	sand.u32 $0x2000, s24;
	s2 =	sshll.u32 s2, $0x7;
	s26 =	sand.u32 $0x1C00, s9  }
0x4e: {  	s30 =	sand.u32 $0x380, s29;
	s17 =	sadd.s32 s1, s2;
	s10 =	sor.u32 s26, s10  }
0x4f: {  	[tilespmem:s22], [sflag:$0x4] =	stream.linear.gather [hbm4b:s17+s9], $0x4000, $0x38;
	[tilespmem:$0x18000] =	vst v63  }
0x50: {  	s17 =	sor.u32 s30, s10  }
0x51: {  	v0 =	vld [tilespmem:s17+$0x10070]  }
0x52: {  	v5 =	vld [tilespmem:s17+$0x10000]  }
0x53: {  	v6 =	vld [tilespmem:s17+$0x10010]  }
0x54: {  	v4 =	vld [tilespmem:s17+$0x10020]  }
0x55: {  	v2 =	vld [tilespmem:s17+$0x10030]  }
0x56: {  	v3 =	vld [tilespmem:s17+$0x10040]  }
0x57: {  	s10 =	sor.u32 $0x4070, s17;
	v1 =	vld [tilespmem:s17+$0x10060]  }
0x58: {  	[tilespmem:s10+$0x0] =	vst.add.f32.msk $0xffff, v0  }
0x59: {  	s16 =	sor.u32 $0x4000, s17;
	s29 =	sor.u32 $0x4010, s17;
	v0 =	vld [tilespmem:s17+$0x10050]  }
0x5a: {  	s24 =	sor.u32 $0x4020, s17;
	s26 =	sor.u32 $0x4030, s17;
	s28 =	sor.u32 $0x4040, s17;
	[tilespmem:s16+$0x0] =	vst.add.f32.msk $0xffff, v5  }
0x5b: {  	s10 =	simm.s32 $0x0;
	s16 =	sor.u32 $0x4050, s17;
	s17 =	sor.u32 $0x4060, s17;
	[tilespmem:s29+$0x0] =	vst.add.f32.msk $0xffff, v6  }
.LBB2_5:
0x5c: {  	s10 =	sadd.s32 $0x8, s10;
	[tilespmem:s24+$0x0] =	vst.add.f32.msk $0xffff, v4  }
0x5d: {  	s9 =	sadd.s32 $0x400, s9;
	s24 =	sshll.u32 s10, $0x4;
	p0 =	slt.u32 s10, $0x3F8;
	[tilespmem:s26+$0x0] =	vst.add.f32.msk $0xffff, v2  }
0x5e: {  	s26 =	sand.u32 $0x1C00, s9;
	s29 =	sshll.u32 s10, $0x1;
	s24 =	sand.u32 $0x2000, s24;
	[tilespmem:s28+$0x0] =	vst.add.f32.msk $0xffff, v3  }
0x5f: {  	s24 =	sor.u32 s26, s24;
	s26 =	sand.u32 $0x380, s29;
	[tilespmem:s16+$0x0] =	vst.add.f32.msk $0xffff, v0  }
0x60: {  	s29 =	sor.u32 s26, s24;
	[tilespmem:s17+$0x0] =	vst.add.f32.msk $0xffff, v1  }
0x61: {  	s30 =	sor.u32 $0x4000, s29;
	s6 =	sor.u32 $0x4010, s29;
	s24 =	sor.u32 $0x4020, s29;
	v0 =	vld [tilespmem:s29+$0x10070]  }
0x62: {  	s26 =	sor.u32 $0x4030, s29;
	s28 =	sor.u32 $0x4040, s29;
	s16 =	sor.u32 $0x4050, s29;
	v5 =	vld [tilespmem:s29+$0x10000]  }
0x63: {  	s17 =	sor.u32 $0x4060, s29;
	v6 =	vld [tilespmem:s29+$0x10010]  }
0x64: {  	v4 =	vld [tilespmem:s29+$0x10020]  }
0x65: {  	s8 =	sor.u32 $0x4070, s29;
	v2 =	vld [tilespmem:s29+$0x10030]  }
0x66: {  	[tilespmem:s8+$0x0] =	vst.add.f32.msk $0xffff, v0  }
.Ltmp1:
0x67: {  	v3 =	vld [tilespmem:s29+$0x10040];
	(pc) =	sbr.rel @p0 .LBB2_5-.Ltmp1, $4  }
0x68: {  	v0 =	vld [tilespmem:s29+$0x10050]  }
0x69: {  	v1 =	vld [tilespmem:s29+$0x10060]  }
0x6a: {  	[tilespmem:s30+$0x0] =	vst.add.f32.msk $0xffff, v5  }
0x6b: {  	[tilespmem:s6+$0x0] =	vst.add.f32.msk $0xffff, v6  }
0x6c: {  	[tilespmem:s24+$0x0] =	vst.add.f32.msk $0xffff, v4  }
0x6d: {  	[tilespmem:s26+$0x0] =	vst.add.f32.msk $0xffff, v2  }
0x6e: {  	[tilespmem:s28+$0x0] =	vst.add.f32.msk $0xffff, v3;
	s6 =	sadd.s32 s13, s7  }
0x6f: {  	s29 =	smov.u32 s13;
	[tilespmem:s16+$0x0] =	vst.add.f32.msk $0xffff, v0;
	s6 =	sshll.u32 s6, $0x7  }
0x70: {  	s7 =	simm.s32 $0x0;
	s13 =	simm.s32 $0x4000;
	[tilespmem:s17+$0x0] =	vst.add.f32.msk $0xffff, v1;
	s6 =	sadd.s32 s4, s6  }
0x71: {  	[hbm4b:s6+s7] =	stream.linear.scatter [tilespmem:s13], [sflag:$0x6], $0x4000, $0x38;
	[tilespmem:$0x18000] =	vst v63  }
0x72: {  	_ =	swait.ge [sflag:s23], $0x4000  }
0x73: {  	s24 =	simm.s32 $0x0;
	[sflag:s23] =	ssyncset.done $0x0  }
0x74: {  	s9 =	simm.s32 $0x0;
	s17 =	simm.s32 $0x5;
	[sflag:s23] =	ssyncadd.s32 $0xFFFFC000  }
0x75: {  	s8 =	sand.u32 $0x1C00, s7;
	s6 =	sand.u32 $0x2000, s24;
	_ =	swait.ge [sflag:s17], $0x4000  }
0x76: {  	s26 =	sand.u32 $0x380, s9;
	s6 =	sor.u32 s8, s6;
	[sflag:s17] =	ssyncset.done $0x0  }
0x77: {  	s18 =	sadd.s32 s1, s18;
	s6 =	sor.u32 s26, s6;
	[sflag:s17] =	ssyncadd.s32 $0xFFFFC000  }
0x78: {  	[tilespmem:s7], [sflag:$0x1] =	stream.linear.gather [hbm4b:s18+s7], $0x4000, $0x38;
	[tilespmem:$0x18000] =	vst v63  }
0x79: {  	v0 =	vld [tilespmem:s6+$0x10070]  }
0x7a: {  	v5 =	vld [tilespmem:s6+$0x10000]  }
0x7b: {  	v6 =	vld [tilespmem:s6+$0x10010]  }
0x7c: {  	v4 =	vld [tilespmem:s6+$0x10020]  }
0x7d: {  	v1 =	vld [tilespmem:s6+$0x10030]  }
0x7e: {  	v3 =	vld [tilespmem:s6+$0x10040]  }
0x7f: {  	s8 =	sor.u32 $0x8070, s6;
	v2 =	vld [tilespmem:s6+$0x10060]  }
0x80: {  	[tilespmem:s8+$0x0] =	vst.add.f32.msk $0xffff, v0  }
0x81: {  	s9 =	simm.s32 $0x0;
	s28 =	sor.u32 $0x8000, s6;
	v0 =	vld [tilespmem:s6+$0x10050]  }
0x82: {  	s30 =	sor.u32 $0x8010, s6;
	s24 =	sor.u32 $0x8030, s6;
	s10 =	sor.u32 $0x8050, s6;
	[tilespmem:s28+$0x0] =	vst.add.f32.msk $0xffff, v5  }
0x83: {  	s16 =	sor.u32 $0x8060, s6;
	s17 =	sor.u32 $0x8040, s6;
	s18 =	sor.u32 $0x8020, s6;
	[tilespmem:s30+$0x0] =	vst.add.f32.msk $0xffff, v6  }
.LBB2_7:
0x84: {  	s9 =	sadd.s32 $0x8, s9;
	[tilespmem:s18+$0x0] =	vst.add.f32.msk $0xffff, v4  }
0x85: {  	s7 =	sadd.s32 $0x400, s7;
	s6 =	sshll.u32 s9, $0x4;
	p0 =	slt.u32 s9, $0x3F8;
	[tilespmem:s24+$0x0] =	vst.add.f32.msk $0xffff, v1  }
0x86: {  	s8 =	sand.u32 $0x1C00, s7;
	s18 =	sshll.u32 s9, $0x1;
	s6 =	sand.u32 $0x2000, s6;
	[tilespmem:s17+$0x0] =	vst.add.f32.msk $0xffff, v3  }
0x87: {  	s6 =	sor.u32 s8, s6;
	s8 =	sand.u32 $0x380, s18;
	[tilespmem:s10+$0x0] =	vst.add.f32.msk $0xffff, v0  }
0x88: {  	s6 =	sor.u32 s8, s6;
	[tilespmem:s16+$0x0] =	vst.add.f32.msk $0xffff, v2  }
0x89: {  	s8 =	sor.u32 $0x8000, s6;
	s26 =	sor.u32 $0x8010, s6;
	s18 =	sor.u32 $0x8020, s6;
	v0 =	vld [tilespmem:s6+$0x10070]  }
0x8a: {  	s24 =	sor.u32 $0x8030, s6;
	s17 =	sor.u32 $0x8040, s6;
	s10 =	sor.u32 $0x8050, s6;
	v5 =	vld [tilespmem:s6+$0x10000]  }
0x8b: {  	s16 =	sor.u32 $0x8060, s6;
	v6 =	vld [tilespmem:s6+$0x10010]  }
0x8c: {  	v4 =	vld [tilespmem:s6+$0x10020]  }
0x8d: {  	s28 =	sor.u32 $0x8070, s6;
	v1 =	vld [tilespmem:s6+$0x10030]  }
0x8e: {  	[tilespmem:s28+$0x0] =	vst.add.f32.msk $0xffff, v0  }
.Ltmp2:
0x8f: {  	v3 =	vld [tilespmem:s6+$0x10040];
	(pc) =	sbr.rel @p0 .LBB2_7-.Ltmp2, $4  }
0x90: {  	v0 =	vld [tilespmem:s6+$0x10050]  }
0x91: {  	v2 =	vld [tilespmem:s6+$0x10060]  }
0x92: {  	[tilespmem:s8+$0x0] =	vst.add.f32.msk $0xffff, v5  }
0x93: {  	[tilespmem:s26+$0x0] =	vst.add.f32.msk $0xffff, v6  }
0x94: {  	[tilespmem:s18+$0x0] =	vst.add.f32.msk $0xffff, v4  }
0x95: {  	[tilespmem:s24+$0x0] =	vst.add.f32.msk $0xffff, v1  }
0x96: {  	[tilespmem:s17+$0x0] =	vst.add.f32.msk $0xffff, v3  }
0x97: {  	[tilespmem:s10+$0x0] =	vst.add.f32.msk $0xffff, v0  }
0x98: {  	s6 =	sadd.s32 s4, s31;
	s7 =	simm.s32 $0x0;
	s28 =	simm.s32 $0x8000;
	[tilespmem:s16+$0x0] =	vst.add.f32.msk $0xffff, v2  }
0x99: {  	[hbm4b:s6+s7] =	stream.linear.scatter [tilespmem:s28], [sflag:$0x7], $0x4000, $0x38;
	[tilespmem:$0x18000] =	vst v63  }
0x9a: {  	_ =	swait.ge [sflag:s25], $0x4000  }
0x9b: {  	s18 =	simm.s32 $0x0;
	[sflag:s25] =	ssyncset.done $0x0  }
0x9c: {  	s9 =	simm.s32 $0x0;
	s16 =	simm.s32 $0x6;
	[sflag:s25] =	ssyncadd.s32 $0xFFFFC000  }
0x9d: {  	s8 =	sand.u32 $0x1C00, s7;
	s6 =	sand.u32 $0x2000, s18;
	_ =	swait.ge [sflag:s16], $0x4000  }
0x9e: {  	s24 =	sand.u32 $0x380, s9;
	s6 =	sor.u32 s8, s6;
	[sflag:s16] =	ssyncset.done $0x0  }
0x9f: {  	s17 =	sadd.s32 s14, s11;
	s6 =	sor.u32 s24, s6;
	[sflag:s16] =	ssyncadd.s32 $0xFFFFC000  }
0xa0: {  	[tilespmem:s13], [sflag:$0x2] =	stream.linear.gather [hbm4b:s17+s7], $0x4000, $0x38;
	[tilespmem:$0x18000] =	vst v63  }
0xa1: {  	v0 =	vld [tilespmem:s6+$0x10070]  }
0xa2: {  	v5 =	vld [tilespmem:s6+$0x10000]  }
0xa3: {  	v6 =	vld [tilespmem:s6+$0x10010]  }
0xa4: {  	v4 =	vld [tilespmem:s6+$0x10020]  }
0xa5: {  	v1 =	vld [tilespmem:s6+$0x10030]  }
0xa6: {  	v3 =	vld [tilespmem:s6+$0x10040]  }
0xa7: {  	s8 =	sor.u32 $0xC070, s6;
	v2 =	vld [tilespmem:s6+$0x10060]  }
0xa8: {  	[tilespmem:s8+$0x0] =	vst.add.f32.msk $0xffff, v0  }
0xa9: {  	s30 =	smov.u32 s20;
	s9 =	simm.s32 $0x0;
	s26 =	sor.u32 $0xC000, s6;
	v0 =	vld [tilespmem:s6+$0x10050]  }
0xaa: {  	s31 =	sor.u32 $0xC010, s6;
	s18 =	sor.u32 $0xC030, s6;
	s10 =	sor.u32 $0xC050, s6;
	[tilespmem:s26+$0x0] =	vst.add.f32.msk $0xffff, v5  }
0xab: {  	s14 =	sor.u32 $0xC060, s6;
	s16 =	sor.u32 $0xC040, s6;
	s17 =	sor.u32 $0xC020, s6;
	[tilespmem:s31+$0x0] =	vst.add.f32.msk $0xffff, v6  }
.LBB2_9:
0xac: {  	s9 =	sadd.s32 $0x8, s9;
	[tilespmem:s17+$0x0] =	vst.add.f32.msk $0xffff, v4  }
0xad: {  	s7 =	sadd.s32 $0x400, s7;
	s6 =	sshll.u32 s9, $0x4;
	p0 =	slt.u32 s9, $0x3F8;
	[tilespmem:s18+$0x0] =	vst.add.f32.msk $0xffff, v1  }
0xae: {  	s8 =	sand.u32 $0x1C00, s7;
	s17 =	sshll.u32 s9, $0x1;
	s6 =	sand.u32 $0x2000, s6;
	[tilespmem:s16+$0x0] =	vst.add.f32.msk $0xffff, v3  }
0xaf: {  	s6 =	sor.u32 s8, s6;
	s8 =	sand.u32 $0x380, s17;
	[tilespmem:s10+$0x0] =	vst.add.f32.msk $0xffff, v0  }
0xb0: {  	s6 =	sor.u32 s8, s6;
	[tilespmem:s14+$0x0] =	vst.add.f32.msk $0xffff, v2  }
0xb1: {  	s8 =	sor.u32 $0xC000, s6;
	s24 =	sor.u32 $0xC010, s6;
	s17 =	sor.u32 $0xC020, s6;
	v0 =	vld [tilespmem:s6+$0x10070]  }
0xb2: {  	s18 =	sor.u32 $0xC030, s6;
	s16 =	sor.u32 $0xC040, s6;
	s10 =	sor.u32 $0xC050, s6;
	v5 =	vld [tilespmem:s6+$0x10000]  }
0xb3: {  	s14 =	sor.u32 $0xC060, s6;
	v6 =	vld [tilespmem:s6+$0x10010]  }
0xb4: {  	v4 =	vld [tilespmem:s6+$0x10020]  }
0xb5: {  	s26 =	sor.u32 $0xC070, s6;
	v1 =	vld [tilespmem:s6+$0x10030]  }
0xb6: {  	[tilespmem:s26+$0x0] =	vst.add.f32.msk $0xffff, v0  }
.Ltmp3:
0xb7: {  	v3 =	vld [tilespmem:s6+$0x10040];
	(pc) =	sbr.rel @p0 .LBB2_9-.Ltmp3, $4  }
0xb8: {  	v0 =	vld [tilespmem:s6+$0x10050]  }
0xb9: {  	v2 =	vld [tilespmem:s6+$0x10060]  }
0xba: {  	[tilespmem:s8+$0x0] =	vst.add.f32.msk $0xffff, v5  }
0xbb: {  	[tilespmem:s24+$0x0] =	vst.add.f32.msk $0xffff, v6  }
0xbc: {  	[tilespmem:s17+$0x0] =	vst.add.f32.msk $0xffff, v4  }
0xbd: {  	[tilespmem:s18+$0x0] =	vst.add.f32.msk $0xffff, v1  }
0xbe: {  	[tilespmem:s16+$0x0] =	vst.add.f32.msk $0xffff, v3  }
0xbf: {  	[tilespmem:s10+$0x0] =	vst.add.f32.msk $0xffff, v0  }
0xc0: {  	s2 =	sadd.s32 s4, s2;
	s6 =	simm.s32 $0xA;
	p0 =	seq.s32 s0, $0x7;
	[tilespmem:s14+$0x0] =	vst.add.f32.msk $0xffff, v2  }
0xc1: {  	[hbm4b:s2+s5] =	stream.linear.scatter [tilespmem:s22], [sflag:$0x8], $0x4000, $0x38;
	[tilespmem:$0x18000] =	vst v63  }
0xc2: {  	s7 =	simm.s32 @!p0 $0x10000;
	s2 =	sadd.s32 $0x2, s15;
	_ =	swait.ge [sflag:s6], $0x4000  }
0xc3: {  	s14 =	sshll.u32 @!p0 s2, $0xB;
	[sflag:s6] =	ssyncset.done $0x0;
	s2 =	rddreg [dreg:$0x5]  }
0xc4: {  	[sflag:s6] =	ssyncadd.s32 $0xFFFFC000;
	s2 =	sadd.s32 @!p0 s14, s2;
	s6 =	simm.s32 @!p0 $0x0  }
0xc5: {  	[tilespmem:s7], [sflag:$0x9] =	stream.linear.gather @!p0 [hbm4b:s2+s6], $0x4000, $0x38;
	[tilespmem:$0x18000] =	vst v63  }
0xc6: {  	_ =	swait.ge [sflag:s19], $0x4000  }
0xc7: {  	s20 =	simm.s32 $0x7;
	s26 =	simm.s32 $0x0;
	[sflag:s19] =	ssyncset.done $0x0  }
0xc8: {  	s9 =	simm.s32 $0x0;
	s2 =	sshll.u32 s3, $0x4;
	[sflag:s19] =	ssyncadd.s32 $0xFFFFC000  }
0xc9: {  	s7 =	simm.s32 $0x0;
	s3 =	sor.u32 s30, s2;
	_ =	swait.ge [sflag:s20], $0x4000  }
0xca: {  	s6 =	sand.u32 $0x2000, s26;
	s3 =	sshll.u32 s3, $0x7;
	[sflag:s20] =	ssyncset.done $0x0  }
0xcb: {  	s8 =	sand.u32 $0x1C00, s7;
	s24 =	sadd.s32 s1, s3;
	[sflag:s20] =	ssyncadd.s32 $0xFFFFC000  }
0xcc: {  	[tilespmem:s28], [sflag:$0x3] =	stream.linear.gather [hbm4b:s24+s7], $0x4000, $0x38;
	[tilespmem:$0x18000] =	vst v63  }
0xcd: {  	s6 =	sor.u32 s8, s6;
	s28 =	sand.u32 $0x380, s9  }
0xce: {  	s6 =	sor.u32 s28, s6  }
0xcf: {  	v0 =	vld [tilespmem:s6+$0x14070]  }
0xd0: {  	v5 =	vld [tilespmem:s6+$0x14000]  }
0xd1: {  	v6 =	vld [tilespmem:s6+$0x14010]  }
0xd2: {  	v4 =	vld [tilespmem:s6+$0x14020]  }
0xd3: {  	v2 =	vld [tilespmem:s6+$0x14030]  }
0xd4: {  	v3 =	vld [tilespmem:s6+$0x14040]  }
0xd5: {  	s8 =	sor.u32 $0x70, s6;
	v1 =	vld [tilespmem:s6+$0x14050]  }
0xd6: {  	[tilespmem:s8+$0x0] =	vst.add.f32.msk $0xffff, v0  }
0xd7: {  	s9 =	simm.s32 $0x0;
	v0 =	vld [tilespmem:s6+$0x14060]  }
0xd8: {  	s31 =	sor.u32 $0x10, s6;
	s18 =	sor.u32 $0x20, s6;
	s17 =	sor.u32 $0x30, s6;
	[tilespmem:s6+$0x0] =	vst.add.f32.msk $0xffff, v5  }
0xd9: {  	s16 =	sor.u32 $0x40, s6;
	s15 =	sor.u32 $0x50, s6;
	s10 =	sor.u32 $0x60, s6;
	[tilespmem:s31+$0x0] =	vst.add.f32.msk $0xffff, v6  }
.LBB2_11:
0xda: {  	s9 =	sadd.s32 $0x8, s9;
	[tilespmem:s18+$0x0] =	vst.add.f32.msk $0xffff, v4  }
0xdb: {  	s7 =	sadd.s32 $0x400, s7;
	s6 =	sshll.u32 s9, $0x4;
	p1 =	slt.u32 s9, $0x3F8;
	[tilespmem:s17+$0x0] =	vst.add.f32.msk $0xffff, v2  }
0xdc: {  	s8 =	sand.u32 $0x1C00, s7;
	s17 =	sshll.u32 s9, $0x1;
	s6 =	sand.u32 $0x2000, s6;
	[tilespmem:s16+$0x0] =	vst.add.f32.msk $0xffff, v3  }
0xdd: {  	s6 =	sor.u32 s8, s6;
	s8 =	sand.u32 $0x380, s17;
	[tilespmem:s15+$0x0] =	vst.add.f32.msk $0xffff, v1  }
0xde: {  	s6 =	sor.u32 s8, s6;
	[tilespmem:s10+$0x0] =	vst.add.f32.msk $0xffff, v0  }
0xdf: {  	s8 =	sor.u32 $0x10, s6;
	s18 =	sor.u32 $0x20, s6;
	s17 =	sor.u32 $0x30, s6;
	v0 =	vld [tilespmem:s6+$0x14070]  }
0xe0: {  	s16 =	sor.u32 $0x40, s6;
	s15 =	sor.u32 $0x50, s6;
	s10 =	sor.u32 $0x60, s6;
	v5 =	vld [tilespmem:s6+$0x14000]  }
0xe1: {  	v6 =	vld [tilespmem:s6+$0x14010]  }
0xe2: {  	v4 =	vld [tilespmem:s6+$0x14020]  }
0xe3: {  	s24 =	sor.u32 $0x70, s6;
	v2 =	vld [tilespmem:s6+$0x14030]  }
0xe4: {  	[tilespmem:s24+$0x0] =	vst.add.f32.msk $0xffff, v0  }
.Ltmp4:
0xe5: {  	v3 =	vld [tilespmem:s6+$0x14040];
	(pc) =	sbr.rel @p1 .LBB2_11-.Ltmp4, $4  }
0xe6: {  	v1 =	vld [tilespmem:s6+$0x14050]  }
0xe7: {  	v0 =	vld [tilespmem:s6+$0x14060]  }
0xe8: {  	[tilespmem:s6+$0x0] =	vst.add.f32.msk $0xffff, v5  }
0xe9: {  	[tilespmem:s8+$0x0] =	vst.add.f32.msk $0xffff, v6  }
0xea: {  	[tilespmem:s18+$0x0] =	vst.add.f32.msk $0xffff, v4  }
0xeb: {  	[tilespmem:s17+$0x0] =	vst.add.f32.msk $0xffff, v2  }
0xec: {  	[tilespmem:s16+$0x0] =	vst.add.f32.msk $0xffff, v3;
	s6 =	sadd.s32 s12, s2  }
0xed: {  	[tilespmem:s15+$0x0] =	vst.add.f32.msk $0xffff, v1;
	s6 =	sshll.u32 s6, $0x7  }
0xee: {  	s7 =	simm.s32 $0x0;
	[tilespmem:s10+$0x0] =	vst.add.f32.msk $0xffff, v0;
	s6 =	sadd.s32 s4, s6  }
0xef: {  	[hbm4b:s6+s7] =	stream.linear.scatter [tilespmem:s7], [sflag:$0x5], $0x4000, $0x38;
	[tilespmem:$0x18000] =	vst v63  }
0xf0: {  	_ =	swait.ge [sflag:s21], $0x4000  }
0xf1: {  	[sflag:s21] =	ssyncset.done $0x0  }
0xf2: {  	s8 =	simm.s32 $0x8;
	[sflag:s21] =	ssyncadd.s32 $0xFFFFC000  }
0xf3: {  	_ =	swait.ge [sflag:s8], $0x4000  }
0xf4: {  	s20 =	rddreg [dreg:$0x7]  }
0xf5: {  	s6 =	sor.u32 s20, s2  }
0xf6: {  	[sflag:s8] =	ssyncset.done $0x0;
	s15 =	sshll.u32 s6, $0x7  }
0xf7: {  	s24 =	simm.s32 $0x0;
	[sflag:s8] =	ssyncadd.s32 $0xFFFFC000;
	s6 =	sadd.s32 s1, s15  }
0xf8: {  	[tilespmem:s22], [sflag:$0x4] =	stream.linear.gather [hbm4b:s6+s7], $0x4000, $0x38;
	[tilespmem:$0x18000] =	vst v63  }
0xf9: {  	s9 =	simm.s32 $0x0;
	s26 =	sand.u32 $0x1C00, s7;
	s6 =	sand.u32 $0x2000, s24  }
0xfa: {  	s28 =	sand.u32 $0x380, s9;
	s6 =	sor.u32 s26, s6  }
0xfb: {  	s6 =	sor.u32 s28, s6  }
0xfc: {  	v0 =	vld [tilespmem:s6+$0x14070]  }
0xfd: {  	v5 =	vld [tilespmem:s6+$0x14000]  }
0xfe: {  	v6 =	vld [tilespmem:s6+$0x14010]  }
0xff: {  	v4 =	vld [tilespmem:s6+$0x14020]  }
0x100: {  	v2 =	vld [tilespmem:s6+$0x14030]  }
0x101: {  	v3 =	vld [tilespmem:s6+$0x14040]  }
0x102: {  	s8 =	sor.u32 $0x4070, s6;
	v1 =	vld [tilespmem:s6+$0x14060]  }
0x103: {  	[tilespmem:s8+$0x0] =	vst.add.f32.msk $0xffff, v0  }
0x104: {  	s9 =	simm.s32 $0x0;
	s31 =	sor.u32 $0x4000, s6;
	v0 =	vld [tilespmem:s6+$0x14050]  }
0x105: {  	s26 =	sor.u32 $0x4010, s6;
	s18 =	sor.u32 $0x4020, s6;
	s24 =	sor.u32 $0x4030, s6;
	[tilespmem:s31+$0x0] =	vst.add.f32.msk $0xffff, v5  }
0x106: {  	s17 =	sor.u32 $0x4040, s6;
	s16 =	sor.u32 $0x4050, s6;
	s10 =	sor.u32 $0x4060, s6;
	[tilespmem:s26+$0x0] =	vst.add.f32.msk $0xffff, v6  }
.LBB2_13:
0x107: {  	s9 =	sadd.s32 $0x8, s9;
	[tilespmem:s18+$0x0] =	vst.add.f32.msk $0xffff, v4  }
0x108: {  	s7 =	sadd.s32 $0x400, s7;
	s6 =	sshll.u32 s9, $0x4;
	p1 =	slt.u32 s9, $0x3F8;
	[tilespmem:s24+$0x0] =	vst.add.f32.msk $0xffff, v2  }
0x109: {  	s8 =	sand.u32 $0x1C00, s7;
	s18 =	sshll.u32 s9, $0x1;
	s6 =	sand.u32 $0x2000, s6;
	[tilespmem:s17+$0x0] =	vst.add.f32.msk $0xffff, v3  }
0x10a: {  	s6 =	sor.u32 s8, s6;
	s8 =	sand.u32 $0x380, s18;
	[tilespmem:s16+$0x0] =	vst.add.f32.msk $0xffff, v0  }
0x10b: {  	s6 =	sor.u32 s8, s6;
	[tilespmem:s10+$0x0] =	vst.add.f32.msk $0xffff, v1  }
0x10c: {  	s8 =	sor.u32 $0x4000, s6;
	s26 =	sor.u32 $0x4010, s6;
	s18 =	sor.u32 $0x4020, s6;
	v0 =	vld [tilespmem:s6+$0x14070]  }
0x10d: {  	s24 =	sor.u32 $0x4030, s6;
	s17 =	sor.u32 $0x4040, s6;
	s16 =	sor.u32 $0x4050, s6;
	v5 =	vld [tilespmem:s6+$0x14000]  }
0x10e: {  	s10 =	sor.u32 $0x4060, s6;
	v6 =	vld [tilespmem:s6+$0x14010]  }
0x10f: {  	v4 =	vld [tilespmem:s6+$0x14020]  }
0x110: {  	s28 =	sor.u32 $0x4070, s6;
	v2 =	vld [tilespmem:s6+$0x14030]  }
0x111: {  	[tilespmem:s28+$0x0] =	vst.add.f32.msk $0xffff, v0  }
.Ltmp5:
0x112: {  	v3 =	vld [tilespmem:s6+$0x14040];
	(pc) =	sbr.rel @p1 .LBB2_13-.Ltmp5, $4  }
0x113: {  	v0 =	vld [tilespmem:s6+$0x14050]  }
0x114: {  	v1 =	vld [tilespmem:s6+$0x14060]  }
0x115: {  	[tilespmem:s8+$0x0] =	vst.add.f32.msk $0xffff, v5  }
0x116: {  	[tilespmem:s26+$0x0] =	vst.add.f32.msk $0xffff, v6  }
0x117: {  	[tilespmem:s18+$0x0] =	vst.add.f32.msk $0xffff, v4  }
0x118: {  	[tilespmem:s24+$0x0] =	vst.add.f32.msk $0xffff, v2  }
0x119: {  	[tilespmem:s17+$0x0] =	vst.add.f32.msk $0xffff, v3;
	s2 =	sadd.s32 s29, s2  }
0x11a: {  	[tilespmem:s16+$0x0] =	vst.add.f32.msk $0xffff, v0;
	s2 =	sshll.u32 s2, $0x7  }
0x11b: {  	[tilespmem:s10+$0x0] =	vst.add.f32.msk $0xffff, v1;
	s2 =	sadd.s32 s4, s2  }
0x11c: {  	[hbm4b:s2+s5] =	stream.linear.scatter [tilespmem:s13], [sflag:$0x6], $0x4000, $0x38;
	[tilespmem:$0x18000] =	vst v63  }
0x11d: {  	_ =	swait.ge [sflag:s23], $0x4000  }
0x11e: {  	[sflag:s23] =	ssyncset.done $0x0  }
0x11f: {  	s2 =	simm.s32 @!p0 $0x5;
	[sflag:s23] =	ssyncadd.s32 $0xFFFFC000  }
0x120: {  	_ =	swait.ge @!p0 [sflag:s2], $0x4000  }
0x121: {  	[sflag:s2] =	ssyncset.done @!p0 $0x0  }
0x122: {  	[sflag:s2] =	ssyncadd.s32 @!p0 $0xFFFFC000;
	s2 =	rddreg [dreg:$0x6]  }
0x123: {  	s6 =	simm.s32 @!p0 $0x0;
	s2 =	sadd.s32 @!p0 s14, s2  }
0x124: {  	[tilespmem:s6], [sflag:$0x1] =	stream.linear.gather @!p0 [hbm4b:s2+s6], $0x4000, $0x38;
	[tilespmem:$0x18000] =	vst v63  }
0x125: {  	s24 =	simm.s32 $0x0;
	s2 =	simm.s32 $0x0  }
0x126: {  	s8 =	simm.s32 $0x0;
	s6 =	sand.u32 $0x2000, s24;
	s7 =	sand.u32 $0x1C00, s2  }
0x127: {  	s26 =	sand.u32 $0x380, s8;
	s6 =	sor.u32 s7, s6  }
0x128: {  	s6 =	sor.u32 s26, s6  }
0x129: {  	v0 =	vld [tilespmem:s6+$0x14070]  }
0x12a: {  	v5 =	vld [tilespmem:s6+$0x14000]  }
0x12b: {  	v6 =	vld [tilespmem:s6+$0x14010]  }
0x12c: {  	v4 =	vld [tilespmem:s6+$0x14020]  }
0x12d: {  	v1 =	vld [tilespmem:s6+$0x14030]  }
0x12e: {  	v3 =	vld [tilespmem:s6+$0x14040]  }
0x12f: {  	s7 =	sor.u32 $0x8070, s6;
	v2 =	vld [tilespmem:s6+$0x14060]  }
0x130: {  	[tilespmem:s7+$0x0] =	vst.add.f32.msk $0xffff, v0  }
0x131: {  	s28 =	sor.u32 $0x8000, s6;
	s31 =	sor.u32 $0x8010, s6;
	v0 =	vld [tilespmem:s6+$0x14050]  }
0x132: {  	s17 =	sor.u32 $0x8020, s6;
	s18 =	sor.u32 $0x8030, s6;
	s16 =	sor.u32 $0x8040, s6;
	[tilespmem:s28+$0x0] =	vst.add.f32.msk $0xffff, v5  }
0x133: {  	s9 =	sor.u32 $0x8050, s6;
	s10 =	sor.u32 $0x8060, s6;
	s7 =	simm.s32 $0x0;
	[tilespmem:s31+$0x0] =	vst.add.f32.msk $0xffff, v6  }
.LBB2_15:
0x134: {  	s7 =	sadd.s32 $0x8, s7;
	[tilespmem:s17+$0x0] =	vst.add.f32.msk $0xffff, v4  }
0x135: {  	s2 =	sadd.s32 $0x400, s2;
	s6 =	sshll.u32 s7, $0x4;
	p1 =	slt.u32 s7, $0x3F8;
	[tilespmem:s18+$0x0] =	vst.add.f32.msk $0xffff, v1  }
0x136: {  	s8 =	sand.u32 $0x1C00, s2;
	s17 =	sshll.u32 s7, $0x1;
	s6 =	sand.u32 $0x2000, s6;
	[tilespmem:s16+$0x0] =	vst.add.f32.msk $0xffff, v3  }
0x137: {  	s6 =	sor.u32 s8, s6;
	s8 =	sand.u32 $0x380, s17;
	[tilespmem:s9+$0x0] =	vst.add.f32.msk $0xffff, v0  }
0x138: {  	s6 =	sor.u32 s8, s6;
	[tilespmem:s10+$0x0] =	vst.add.f32.msk $0xffff, v2  }
0x139: {  	s8 =	sor.u32 $0x8000, s6;
	s24 =	sor.u32 $0x8010, s6;
	s17 =	sor.u32 $0x8020, s6;
	v0 =	vld [tilespmem:s6+$0x14070]  }
0x13a: {  	s18 =	sor.u32 $0x8030, s6;
	s16 =	sor.u32 $0x8040, s6;
	s9 =	sor.u32 $0x8050, s6;
	v5 =	vld [tilespmem:s6+$0x14000]  }
0x13b: {  	s10 =	sor.u32 $0x8060, s6;
	v6 =	vld [tilespmem:s6+$0x14010]  }
0x13c: {  	v4 =	vld [tilespmem:s6+$0x14020]  }
0x13d: {  	s26 =	sor.u32 $0x8070, s6;
	v1 =	vld [tilespmem:s6+$0x14030]  }
0x13e: {  	[tilespmem:s26+$0x0] =	vst.add.f32.msk $0xffff, v0  }
.Ltmp6:
0x13f: {  	v3 =	vld [tilespmem:s6+$0x14040];
	(pc) =	sbr.rel @p1 .LBB2_15-.Ltmp6, $4  }
0x140: {  	v0 =	vld [tilespmem:s6+$0x14050]  }
0x141: {  	v2 =	vld [tilespmem:s6+$0x14060]  }
0x142: {  	[tilespmem:s8+$0x0] =	vst.add.f32.msk $0xffff, v5  }
0x143: {  	[tilespmem:s24+$0x0] =	vst.add.f32.msk $0xffff, v6  }
0x144: {  	[tilespmem:s17+$0x0] =	vst.add.f32.msk $0xffff, v4  }
0x145: {  	[tilespmem:s18+$0x0] =	vst.add.f32.msk $0xffff, v1  }
0x146: {  	[tilespmem:s16+$0x0] =	vst.add.f32.msk $0xffff, v3  }
0x147: {  	[tilespmem:s9+$0x0] =	vst.add.f32.msk $0xffff, v0  }
0x148: {  	s2 =	sadd.s32 s4, s3;
	s24 =	simm.s32 $0x8000;
	[tilespmem:s10+$0x0] =	vst.add.f32.msk $0xffff, v2  }
0x149: {  	[hbm4b:s2+s5] =	stream.linear.scatter [tilespmem:s24], [sflag:$0x7], $0x4000, $0x38;
	[tilespmem:$0x18000] =	vst v63  }
0x14a: {  	_ =	swait.ge [sflag:s25], $0x4000  }
0x14b: {  	[sflag:s25] =	ssyncset.done $0x0  }
0x14c: {  	s2 =	simm.s32 @!p0 $0x6;
	[sflag:s25] =	ssyncadd.s32 $0xFFFFC000  }
0x14d: {  	_ =	swait.ge @!p0 [sflag:s2], $0x4000  }
0x14e: {  	s3 =	simm.s32 @!p0 $0x0;
	[sflag:s2] =	ssyncset.done @!p0 $0x0  }
0x14f: {  	s6 =	simm.s32 @!p0 $0x4000;
	[sflag:s2] =	ssyncadd.s32 @!p0 $0xFFFFC000;
	s2 =	sadd.s32 @!p0 s14, s11  }
0x150: {  	[tilespmem:s6], [sflag:$0x2] =	stream.linear.gather @!p0 [hbm4b:s2+s3], $0x4000, $0x38;
	[tilespmem:$0x18000] =	vst v63  }
0x151: {  	s20 =	simm.s32 $0x0;
	s2 =	simm.s32 $0x0  }
0x152: {  	s7 =	simm.s32 $0x0;
	s3 =	sand.u32 $0x2000, s20;
	s26 =	sand.u32 $0x1C00, s2  }
0x153: {  	s28 =	sand.u32 $0x380, s7;
	s3 =	sor.u32 s26, s3  }
0x154: {  	s6 =	sor.u32 s28, s3  }
0x155: {  	v0 =	vld [tilespmem:s6+$0x14070]  }
0x156: {  	v5 =	vld [tilespmem:s6+$0x14000]  }
0x157: {  	v6 =	vld [tilespmem:s6+$0x14010]  }
0x158: {  	v4 =	vld [tilespmem:s6+$0x14020]  }
0x159: {  	v1 =	vld [tilespmem:s6+$0x14030]  }
0x15a: {  	v3 =	vld [tilespmem:s6+$0x14040]  }
0x15b: {  	s3 =	sor.u32 $0xC070, s6;
	v2 =	vld [tilespmem:s6+$0x14060]  }
0x15c: {  	[tilespmem:s3+$0x0] =	vst.add.f32.msk $0xffff, v0  }
0x15d: {  	s31 =	sor.u32 $0xC000, s6;
	s8 =	sor.u32 $0xC010, s6;
	v0 =	vld [tilespmem:s6+$0x14050]  }
0x15e: {  	s14 =	sor.u32 $0xC020, s6;
	s16 =	sor.u32 $0xC030, s6;
	s10 =	sor.u32 $0xC040, s6;
	[tilespmem:s31+$0x0] =	vst.add.f32.msk $0xffff, v5  }
0x15f: {  	s7 =	sor.u32 $0xC050, s6;
	s9 =	sor.u32 $0xC060, s6;
	s3 =	simm.s32 $0x0;
	[tilespmem:s8+$0x0] =	vst.add.f32.msk $0xffff, v6  }
.LBB2_17:
0x160: {  	s3 =	sadd.s32 $0x8, s3;
	[tilespmem:s14+$0x0] =	vst.add.f32.msk $0xffff, v4  }
0x161: {  	s2 =	sadd.s32 $0x400, s2;
	s6 =	sshll.u32 s3, $0x4;
	p0 =	slt.u32 s3, $0x3F8;
	[tilespmem:s16+$0x0] =	vst.add.f32.msk $0xffff, v1  }
0x162: {  	s8 =	sand.u32 $0x1C00, s2;
	s14 =	sshll.u32 s3, $0x1;
	s6 =	sand.u32 $0x2000, s6;
	[tilespmem:s10+$0x0] =	vst.add.f32.msk $0xffff, v3  }
0x163: {  	s6 =	sor.u32 s8, s6;
	s8 =	sand.u32 $0x380, s14;
	[tilespmem:s7+$0x0] =	vst.add.f32.msk $0xffff, v0  }
0x164: {  	s6 =	sor.u32 s8, s6;
	[tilespmem:s9+$0x0] =	vst.add.f32.msk $0xffff, v2  }
0x165: {  	s8 =	sor.u32 $0xC000, s6;
	s17 =	sor.u32 $0xC010, s6;
	s14 =	sor.u32 $0xC020, s6;
	v0 =	vld [tilespmem:s6+$0x14070]  }
0x166: {  	s16 =	sor.u32 $0xC030, s6;
	s10 =	sor.u32 $0xC040, s6;
	s7 =	sor.u32 $0xC050, s6;
	v5 =	vld [tilespmem:s6+$0x14000]  }
0x167: {  	s9 =	sor.u32 $0xC060, s6;
	v6 =	vld [tilespmem:s6+$0x14010]  }
0x168: {  	v4 =	vld [tilespmem:s6+$0x14020]  }
0x169: {  	s18 =	sor.u32 $0xC070, s6;
	v1 =	vld [tilespmem:s6+$0x14030]  }
0x16a: {  	[tilespmem:s18+$0x0] =	vst.add.f32.msk $0xffff, v0  }
.Ltmp7:
0x16b: {  	v3 =	vld [tilespmem:s6+$0x14040];
	(pc) =	sbr.rel @p0 .LBB2_17-.Ltmp7, $4  }
0x16c: {  	v0 =	vld [tilespmem:s6+$0x14050]  }
0x16d: {  	v2 =	vld [tilespmem:s6+$0x14060]  }
0x16e: {  	[tilespmem:s8+$0x0] =	vst.add.f32.msk $0xffff, v5  }
0x16f: {  	[tilespmem:s17+$0x0] =	vst.add.f32.msk $0xffff, v6  }
0x170: {  	s0 =	sadd.s32 $0x1, s0  }
0x171: {  	[tilespmem:s14+$0x0] =	vst.add.f32.msk $0xffff, v4;
	p0 =	sne.s32 s0, $0x8  }
.Ltmp8:
0x172: {  	[tilespmem:s16+$0x0] =	vst.add.f32.msk $0xffff, v1;
	(pc) =	sbr.rel @p0 .LBB2_2-.Ltmp8, $4  }
0x173: {  	[tilespmem:s10+$0x0] =	vst.add.f32.msk $0xffff, v3  }
0x174: {  	[tilespmem:s7+$0x0] =	vst.add.f32.msk $0xffff, v0  }
0x175: {  	s2 =	sadd.s32 s4, s15;
	[tilespmem:s9+$0x0] =	vst.add.f32.msk $0xffff, v2  }
0x176: {  	[hbm4b:s2+s5] =	stream.linear.scatter [tilespmem:s22], [sflag:$0x8], $0x4000, $0x38;
	[tilespmem:$0x18000] =	vst v63  }
0x177: {  	s0 =	simm.s32 $0x5  }
0x178: {  	_ =	swait.ge [sflag:s0], $0x4000  }
0x179: {  	[sflag:s0] =	ssyncset.done $0x0  }
0x17a: {  	s26 =	simm.s32 $0x6;
	[sflag:s0] =	ssyncadd.s32 $0xFFFFC000  }
0x17b: {  	_ =	swait.ge [sflag:s26], $0x4000  }
0x17c: {  	[sflag:s26] =	ssyncset.done $0x0  }
0x17d: {  	s28 =	simm.s32 $0x7;
	[sflag:s26] =	ssyncadd.s32 $0xFFFFC000  }
0x17e: {  	_ =	swait.ge [sflag:s28], $0x4000  }
0x17f: {  	[sflag:s28] =	ssyncset.done $0x0  }
0x180: {  	s2 =	simm.s32 $0x8;
	[sflag:s28] =	ssyncadd.s32 $0xFFFFC000  }
0x181: {  	_ =	swait.ge [sflag:s2], $0x4000  }
0x182: {  	s3 =	rddreg [dreg:$0x9]  }
0x183: {  	s31 =	rddreg [dreg:$0x8];
	s3 =	sadd.s32 $0x1, s3  }
0x184: {  	p0 =	sne.s32 s3, s31  }
.Ltmp9:
0x185: {  	_ = 	snop;
	(pc) =	sbr.rel @p0 .LBB2_1-.Ltmp9, $3  }
0x186: {  	_ =	sdelay $0x1  }
0x187: {  	[sflag:s2] =	ssyncset.done $0x0  }
0x188: {  	[sflag:s2] =	ssyncadd.s32 $0xFFFFC000  }
0x189: {  	_ =	sfence.sel $0x180000  }
0x18a: {  	[bflag:$0x0] =	sbarrier.arrive $0xFFFF  }
0x18b: {  	_ =	strace $0x90000047  }
0x18c: {  	s0 =	stileid.u32;
	[bflag:$0x2] =	sbarrier.arrive $0xFFFF  }
0x18d: {  	p0 =	sne.s32 s0, $0x0;
	s0 =	rddreg [dreg:$0x3]  }
0x18e: {  	s0 =	sadd.s32 @!p0 $0x100000, s0  }
0x18f: {  	[sflag:s0] =	ssyncadd.tile.s32 @!p0 $0x1;
	_ =	shalt  }
.Lfunc_end2:
_tile_overlayer_lowered:
.L_overlay_start_2:
0x190: {  	(tag) =	ssettag $0x2  }
0x191: {  	s0 =	rddreg [dreg:$0x0];
	s2 =	stileid.u32  }
0x192: {  	s1 =	rddreg [dreg:$0x1];
	p0 =	sne.s32 s2, $0x0  }
0x193: {  	s3 =	rddreg [dreg:$0x2];
	[bflag:$0x3] =	sbarrier.arrive $0xFFFF;
	s2 =	simm.s32 @!p0 $0x1C0B  }
0x194: {  	[timem:s3], [sflag:s2] =	dma.local @!p0 [hbm:s0], s1  }
0x195: {  	s0 =	simm.s32 @!p0 $0xB  }
0x196: {  	_ =	swait.ge @!p0 [sflag:s0], s1  }
0x197: {  	s1 =	ssub.s32 @!p0 $0x0, s1;
	[sflag:s0] =	ssyncset.done @!p0 $0x0  }
0x198: {  	[sflag:s0] =	ssyncadd.s32 @!p0 s1  }
0x199: {  	[bflag:$0x3] =	sbarrier.arrive $0xFFFF  }
0x19a: {  	_ =	shalt  }

</sc_bundles>
